<compile_context>
chip_gen: v7x
topology: tpu7x:2x2x1
jax: 0.10.2.dev20260603
libtpu: 0.0.44.dev20260713+nightly
codegen_flags: <defaults>
</compile_context>

<pallas_src>
import functools

import jax
import jax.numpy as jnp
from jax import lax
from jax.experimental import pallas as pl
from jax.experimental.pallas import tpu as pltpu
from jax.experimental.pallas import tpu_sc as plsc

N, D, E = 2048, 768, 64
TB = 128
BLK = 128
NC, NS = 2, 16
NW = NC * NS
CH = N // NW


RG = 4
XB = N // RG


def _router_body(x_ref, wr_ref, br_ref, pos_ref, st_ref, en_ref, oh_s):
    g = pl.program_id(0)
    lg = jnp.dot(x_ref[...], wr_ref[...],
                 preferred_element_type=jnp.float32) + br_ref[...]
    mb = jnp.max(lg, axis=1, keepdims=True)
    iota_b = lax.broadcasted_iota(jnp.int32, (XB, E), 1)
    sel_b = jnp.min(jnp.where(lg >= mb, iota_b, E), axis=1, keepdims=True)
    oh_s[pl.ds(g * XB, XB), :] = (iota_b == sel_b).astype(jnp.float32)

    @pl.when(g == RG - 1)
    def _phase2():
        _router_phase2(pos_ref, st_ref, en_ref, oh_s)


def _router_phase2(pos_ref, st_ref, en_ref, oh_s):
    nb = N // TB
    onehot = oh_s[...]

    rB = lax.broadcasted_iota(jnp.int32, (nb, N), 0)
    cB = lax.broadcasted_iota(jnp.int32, (nb, N), 1)
    bmat = (cB // TB == rB).astype(jnp.bfloat16)
    bc = jnp.dot(bmat, onehot.astype(jnp.bfloat16),
                 preferred_element_type=jnp.float32)
    rT = lax.broadcasted_iota(jnp.int32, (nb, nb), 0)
    cT = lax.broadcasted_iota(jnp.int32, (nb, nb), 1)
    base = jnp.dot((cT < rT).astype(jnp.float32), bc,
                   preferred_element_type=jnp.float32)
    counts = jnp.sum(bc, axis=0, keepdims=True)
    r64 = lax.broadcasted_iota(jnp.int32, (E, E), 0)
    c64 = lax.broadcasted_iota(jnp.int32, (E, E), 1)
    excl = jnp.dot(counts, (r64 < c64).astype(jnp.float32),
                   preferred_element_type=jnp.float32)
    st_ref[...] = excl.astype(jnp.int32)
    en_ref[...] = (excl + counts).astype(jnp.int32)

    r128 = lax.broadcasted_iota(jnp.int32, (TB, TB), 0)
    c128 = lax.broadcasted_iota(jnp.int32, (TB, TB), 1)
    tril = (r128 >= c128).astype(jnp.bfloat16)
    for t in range(nb):
        oh_t = onehot[t * TB:(t + 1) * TB, :]
        cum_t = jnp.dot(tril, oh_t.astype(jnp.bfloat16),
                        preferred_element_type=jnp.float32) + base[t:t + 1, :]
        rk_off = jnp.sum(oh_t * (cum_t + excl), axis=1, keepdims=True)
        pos_ref[t * TB:(t + 1) * TB, :] = (rk_off - 1.0).astype(jnp.int32)


_router = pl.pallas_call(
    _router_body,
    grid=(RG,),
    in_specs=[
        pl.BlockSpec((XB, D), lambda g: (g, 0)),
        pl.BlockSpec((D, E), lambda g: (0, 0)),
        pl.BlockSpec((1, E), lambda g: (0, 0)),
    ],
    out_specs=(pl.BlockSpec((N, 1), lambda g: (0, 0)),
               pl.BlockSpec((1, E), lambda g: (0, 0)),
               pl.BlockSpec((1, E), lambda g: (0, 0))),
    out_shape=(jax.ShapeDtypeStruct((N, 1), jnp.int32),
               jax.ShapeDtypeStruct((1, E), jnp.int32),
               jax.ShapeDtypeStruct((1, E), jnp.int32)),
    scratch_shapes=[pltpu.VMEM((N, E), jnp.float32)],
)


EPB = 4


def _moe_body(starts_ref, ends_ref, x_ref, w_ref, b_ref, out_ref):
    g = pl.program_id(0)

    for j in range(EPB):
        e = g * EPB + j
        start = starts_ref[e]
        end = ends_ref[e]
        w = w_ref[j]
        b = b_ref[j]

        def chunk(c, _, start=start, end=end, w=w, b=b):
            rb = c * BLK
            xa = x_ref[pl.ds(rb, BLK), :]
            res = jnp.dot(xa, w, preferred_element_type=jnp.float32) + b
            rows = rb + lax.broadcasted_iota(jnp.int32, (BLK, 1), 0)
            masked = jnp.where((rows >= start) & (rows < end), res, 0.0)

            @pl.when(start <= rb)
            def _():
                out_ref[pl.ds(rb, BLK), :] = masked

            @pl.when(start > rb)
            def _():
                out_ref[pl.ds(rb, BLK), :] = out_ref[pl.ds(rb, BLK), :] + masked

            return 0

        lax.fori_loop(start // BLK, (end - 1) // BLK + 1, chunk, 0)


_moe = pl.pallas_call(
    _moe_body,
    grid_spec=pltpu.PrefetchScalarGridSpec(
        num_scalar_prefetch=2,
        grid=(E // EPB,),
        in_specs=[
            pl.BlockSpec((N, D), lambda g, s, t: (0, 0)),
            pl.BlockSpec((EPB, D, D), lambda g, s, t: (g, 0, 0)),
            pl.BlockSpec((EPB, 1, D), lambda g, s, t: (g, 0, 0)),
        ],
        out_specs=pl.BlockSpec((N, D), lambda g, s, t: (0, 0)),
    ),
    out_shape=jax.ShapeDtypeStruct((N, D), jnp.float32),
)


@functools.cache
def _make_permute(mode):
    @functools.partial(
        pl.kernel,
        mesh=plsc.VectorSubcoreMesh(core_axis_name="c", subcore_axis_name="s"),
        out_type=jax.ShapeDtypeStruct((N, D), jnp.float32),
        scratch_types=[
            pltpu.VMEM((CH // 2,), jnp.int32),
            pltpu.VMEM((CH // 2,), jnp.int32),
            pltpu.VMEM((CH // 2, D), jnp.float32),
            pltpu.VMEM((CH // 2, D), jnp.float32),
            pltpu.SemaphoreType.DMA,
            pltpu.SemaphoreType.DMA,
            pltpu.SemaphoreType.DMA,
            pltpu.SemaphoreType.DMA,
        ],
    )
    def k(src, idx, out, i0, i1, r0, r1, s0, s1, s2, s3):
        wid = lax.axis_index("s") * NC + lax.axis_index("c")
        base = wid * CH
        H = CH // 2
        ci0 = pltpu.async_copy(idx.at[pl.ds(base, H)], i0, s0)
        ci1 = pltpu.async_copy(idx.at[pl.ds(base + H, H)], i1, s1)
        if mode == "scatter":
            cr0 = pltpu.async_copy(src.at[pl.ds(base, H)], r0, s2)
            cr1 = pltpu.async_copy(src.at[pl.ds(base + H, H)], r1, s3)
            ci0.wait()
            cr0.wait()
            w0 = pltpu.async_copy(r0, out.at[i0], s0)
            ci1.wait()
            cr1.wait()
            w1 = pltpu.async_copy(r1, out.at[i1], s1)
            w0.wait()
            w1.wait()
        else:
            ci0.wait()
            g0 = pltpu.async_copy(src.at[i0], r0, s2)
            ci1.wait()
            g1 = pltpu.async_copy(src.at[i1], r1, s3)
            g0.wait()
            w0 = pltpu.async_copy(r0, out.at[pl.ds(base, H)], s0)
            g1.wait()
            w1 = pltpu.async_copy(r1, out.at[pl.ds(base + H, H)], s1)
            w0.wait()
            w1.wait()

    return k


def kernel(x, Wr, br, We, be):
    pos2d, st, en = _router(x, Wr, br.reshape(1, E))
    pos = pos2d.reshape(N)
    x_sorted = _make_permute("scatter")(x, pos)
    out_sorted = _moe(st.reshape(E), en.reshape(E), x_sorted, We,
                      be.reshape(E, 1, D))
    return _make_permute("gather")(out_sorted, pos)

# --- scband reference (transcript-rebuilt; emitter-appended) ---
"""Pipeline reference for scband-sparse-mo-e-27152783245408 (READ-ONLY COPY).

The authoritative reference and input builder live on the scoring server;
editing this copy changes nothing except your own understanding.
"""

import jax, jax.numpy as jnp
import numpy as np

N, D, E, K = 2048, 768, 64, 1

def setup_inputs(seed: int = 0) -> dict:
    key = jax.random.key(seed)
    ks = jax.random.split(key, 4)
    x = jax.random.normal(ks[0], (N, D), dtype=jnp.float32)
    Wr = jax.random.normal(ks[1], (D, E), dtype=jnp.float32) * (1.0 / np.sqrt(D))
    br = jnp.zeros((E,), dtype=jnp.float32)
    We = jax.random.normal(ks[2], (E, D, D), dtype=jnp.float32) * (1.0 / np.sqrt(D))
    be = jnp.zeros((E, D), dtype=jnp.float32)
    return {"x": x, "Wr": Wr, "br": br, "We": We, "be": be}

def reference(x, Wr, br, We, be):
    # router: Linear -> Softmax(dim=1)
    logits = x @ Wr + br
    probs = jax.nn.softmax(logits, axis=1)
    # top-k expert selection
    rw, sel = jax.lax.top_k(probs, K)           # [N, K], [N, K]
    rw = rw / jnp.sum(rw, axis=1, keepdims=True)
    num_experts = We.shape[0]
    out = jnp.zeros_like(x)
    # equivalent to the torch nonzero/index_add_ loop: each token's output is
    # sum over its selected experts of routing_weight * expert(x)
    for e in range(num_experts):
        coef = jnp.sum(jnp.where(sel == e, rw, 0.0), axis=1)   # [N]
        expert_out = x @ We[e] + be[e]                          # [N, D]
        out = out + coef[:, None] * expert_out
    return out

if __name__ == "__main__":
    import jax
    _d = setup_inputs()
    print(jax.jit(kernel)(*tuple(_d.values())))

</pallas_src>

<mosaic_0001>
#map = affine_map<(d0, d1) -> (0, 0)>
#map1 = affine_map<(d0, d1) -> (0)>
module attributes {stable_mosaic.version = 14 : i64} {
  func.func @k(%arg0: i32, %arg1: i32, %arg2: memref<2048x768xf32, #tpu.memory_space<hbm>>, %arg3: memref<2048xi32, #tpu.memory_space<hbm>>, %arg4: memref<2048x768xf32, #tpu.memory_space<hbm>>, %arg5: memref<32xi32, #tpu.memory_space<vmem>>, %arg6: memref<32xi32, #tpu.memory_space<vmem>>, %arg7: memref<32x768xf32, #tpu.memory_space<vmem>>, %arg8: memref<32x768xf32, #tpu.memory_space<vmem>>, %arg9: memref<!tpu.dma_semaphore, #tpu.memory_space<semaphore_mem>>, %arg10: memref<!tpu.dma_semaphore, #tpu.memory_space<semaphore_mem>>, %arg11: memref<!tpu.dma_semaphore, #tpu.memory_space<semaphore_mem>>, %arg12: memref<!tpu.dma_semaphore, #tpu.memory_space<semaphore_mem>>) attributes {dimension_semantics = [#tpu.dimension_semantics<core_parallel>, #tpu.dimension_semantics<subcore_parallel>], iteration_bounds = array<i64: 2, 16>, scalar_prefetch = 0 : i64, scratch_operands = 8 : i64, tpu.core_type = #tpu.core_type<sc_vector_subcore>, window_params = [{transform_indices = #map}, {transform_indices = #map1}, {transform_indices = #map}]} {
    %mul3A = arith.constant 2 : i32
    %mul3A_0 = arith.muli %arg1, %mul3A : i32
    %add3A = arith.addi %mul3A_0, %arg0 : i32
    %mul3A_1 = arith.constant 64 : i32
    %mul3A_2 = arith.muli %add3A, %mul3A_1 : i32
    %dma_start3A = tpu.memref_slice %arg3[%mul3A_2] : memref<2048xi32, #tpu.memory_space<hbm>> -> memref<32xi32, #tpu.memory_space<hbm>>
    %dma_start3A_3 = tpu.memref_slice %arg3[%mul3A_2] : memref<2048xi32, #tpu.memory_space<hbm>> -> memref<32xi32, #tpu.memory_space<hbm>>
    tpu.enqueue_dma source(%dma_start3A_3 : memref<32xi32, #tpu.memory_space<hbm>>) target(%arg5 : memref<32xi32, #tpu.memory_space<vmem>>) target_semaphore(%arg9 : memref<!tpu.dma_semaphore, #tpu.memory_space<semaphore_mem>>)
    %add3A_4 = arith.constant 32 : i32
    %add3A_5 = arith.addi %mul3A_2, %add3A_4 : i32
    %dma_start3A_6 = tpu.memref_slice %arg3[%add3A_5] : memref<2048xi32, #tpu.memory_space<hbm>> -> memref<32xi32, #tpu.memory_space<hbm>>
    %dma_start3A_7 = tpu.memref_slice %arg3[%add3A_5] : memref<2048xi32, #tpu.memory_space<hbm>> -> memref<32xi32, #tpu.memory_space<hbm>>
    tpu.enqueue_dma source(%dma_start3A_7 : memref<32xi32, #tpu.memory_space<hbm>>) target(%arg6 : memref<32xi32, #tpu.memory_space<vmem>>) target_semaphore(%arg10 : memref<!tpu.dma_semaphore, #tpu.memory_space<semaphore_mem>>)
    %dma_wait3A = tpu.memref_slice %arg3[%mul3A_2] : memref<2048xi32, #tpu.memory_space<hbm>> -> memref<32xi32, #tpu.memory_space<hbm>>
    %dma_wait3A_8 = tpu.memref_slice %arg3[%mul3A_2] : memref<2048xi32, #tpu.memory_space<hbm>> -> memref<32xi32, #tpu.memory_space<hbm>>
    tpu.wait_dma2 semaphore(%arg9 : memref<!tpu.dma_semaphore, #tpu.memory_space<semaphore_mem>>) src(%dma_wait3A_8 : memref<32xi32, #tpu.memory_space<hbm>>) dst(%arg5 : memref<32xi32, #tpu.memory_space<vmem>>)
    %dma_start3A_9 = arith.constant 0 : i32
    %dma_start3A_10 = arith.constant 0 : i32
    %dma_start3A_11 = tpu.memref_slice %arg2[%dma_start3A_9, %dma_start3A_10] : memref<2048x768xf32, #tpu.memory_space<hbm>> -> memref<2048x768xf32, #tpu.memory_space<hbm>>
    tpu.enqueue_indirect_dma source(%dma_start3A_11 : memref<2048x768xf32, #tpu.memory_space<hbm>>) target(%arg7 : memref<32x768xf32, #tpu.memory_space<vmem>>) offsets(%arg5 : memref<32xi32, #tpu.memory_space<vmem>>) semaphore(%arg11 : memref<!tpu.dma_semaphore, #tpu.memory_space<semaphore_mem>>)
    %dma_wait3A_12 = tpu.memref_slice %arg3[%add3A_5] : memref<2048xi32, #tpu.memory_space<hbm>> -> memref<32xi32, #tpu.memory_space<hbm>>
    %dma_wait3A_13 = tpu.memref_slice %arg3[%add3A_5] : memref<2048xi32, #tpu.memory_space<hbm>> -> memref<32xi32, #tpu.memory_space<hbm>>
    tpu.wait_dma2 semaphore(%arg10 : memref<!tpu.dma_semaphore, #tpu.memory_space<semaphore_mem>>) src(%dma_wait3A_13 : memref<32xi32, #tpu.memory_space<hbm>>) dst(%arg6 : memref<32xi32, #tpu.memory_space<vmem>>)
    %dma_start3A_14 = arith.constant 0 : i32
    %dma_start3A_15 = arith.constant 0 : i32
    %dma_start3A_16 = tpu.memref_slice %arg2[%dma_start3A_14, %dma_start3A_15] : memref<2048x768xf32, #tpu.memory_space<hbm>> -> memref<2048x768xf32, #tpu.memory_space<hbm>>
    tpu.enqueue_indirect_dma source(%dma_start3A_16 : memref<2048x768xf32, #tpu.memory_space<hbm>>) target(%arg8 : memref<32x768xf32, #tpu.memory_space<vmem>>) offsets(%arg6 : memref<32xi32, #tpu.memory_space<vmem>>) semaphore(%arg12 : memref<!tpu.dma_semaphore, #tpu.memory_space<semaphore_mem>>)
    %dma_wait3A_17 = arith.constant 0 : i32
    %dma_wait3A_18 = arith.constant 0 : i32
    %dma_wait3A_19 = tpu.memref_slice %arg2[%dma_wait3A_17, %dma_wait3A_18] : memref<2048x768xf32, #tpu.memory_space<hbm>> -> memref<2048x768xf32, #tpu.memory_space<hbm>>
    tpu.wait_indirect_dma semaphore(%arg11 : memref<!tpu.dma_semaphore, #tpu.memory_space<semaphore_mem>>) src(%dma_wait3A_19 : memref<2048x768xf32, #tpu.memory_space<hbm>>) dst(%arg7 : memref<32x768xf32, #tpu.memory_space<vmem>>)
    %dma_start3A_20 = arith.constant 0 : i32
    %dma_start3A_21 = tpu.memref_slice %arg4[%mul3A_2, %dma_start3A_20] : memref<2048x768xf32, #tpu.memory_space<hbm>> -> memref<32x768xf32, #tpu.memory_space<hbm>>
    %dma_start3A_22 = arith.constant 0 : i32
    %dma_start3A_23 = tpu.memref_slice %arg4[%mul3A_2, %dma_start3A_22] : memref<2048x768xf32, #tpu.memory_space<hbm>> -> memref<32x768xf32, #tpu.memory_space<hbm>>
    tpu.enqueue_dma source(%arg7 : memref<32x768xf32, #tpu.memory_space<vmem>>) target(%dma_start3A_23 : memref<32x768xf32, #tpu.memory_space<hbm>>) target_semaphore(%arg9 : memref<!tpu.dma_semaphore, #tpu.memory_space<semaphore_mem>>)
    %dma_wait3A_24 = arith.constant 0 : i32
    %dma_wait3A_25 = arith.constant 0 : i32
    %dma_wait3A_26 = tpu.memref_slice %arg2[%dma_wait3A_24, %dma_wait3A_25] : memref<2048x768xf32, #tpu.memory_space<hbm>> -> memref<2048x768xf32, #tpu.memory_space<hbm>>
    tpu.wait_indirect_dma semaphore(%arg12 : memref<!tpu.dma_semaphore, #tpu.memory_space<semaphore_mem>>) src(%dma_wait3A_26 : memref<2048x768xf32, #tpu.memory_space<hbm>>) dst(%arg8 : memref<32x768xf32, #tpu.memory_space<vmem>>)
    %add3A_27 = arith.constant 32 : i32
    %add3A_28 = arith.addi %mul3A_2, %add3A_27 : i32
    %dma_start3A_29 = arith.constant 0 : i32
    %dma_start3A_30 = tpu.memref_slice %arg4[%add3A_28, %dma_start3A_29] : memref<2048x768xf32, #tpu.memory_space<hbm>> -> memref<32x768xf32, #tpu.memory_space<hbm>>
    %dma_start3A_31 = arith.constant 0 : i32
    %dma_start3A_32 = tpu.memref_slice %arg4[%add3A_28, %dma_start3A_31] : memref<2048x768xf32, #tpu.memory_space<hbm>> -> memref<32x768xf32, #tpu.memory_space<hbm>>
    tpu.enqueue_dma source(%arg8 : memref<32x768xf32, #tpu.memory_space<vmem>>) target(%dma_start3A_32 : memref<32x768xf32, #tpu.memory_space<hbm>>) target_semaphore(%arg10 : memref<!tpu.dma_semaphore, #tpu.memory_space<semaphore_mem>>)
    %dma_wait3A_33 = arith.constant 0 : i32
    %dma_wait3A_34 = tpu.memref_slice %arg4[%mul3A_2, %dma_wait3A_33] : memref<2048x768xf32, #tpu.memory_space<hbm>> -> memref<32x768xf32, #tpu.memory_space<hbm>>
    %dma_wait3A_35 = arith.constant 0 : i32
    %dma_wait3A_36 = tpu.memref_slice %arg4[%mul3A_2, %dma_wait3A_35] : memref<2048x768xf32, #tpu.memory_space<hbm>> -> memref<32x768xf32, #tpu.memory_space<hbm>>
    tpu.wait_dma2 semaphore(%arg9 : memref<!tpu.dma_semaphore, #tpu.memory_space<semaphore_mem>>) src(%arg7 : memref<32x768xf32, #tpu.memory_space<vmem>>) dst(%dma_wait3A_36 : memref<32x768xf32, #tpu.memory_space<hbm>>)
    %dma_wait3A_37 = arith.constant 0 : i32
    %dma_wait3A_38 = tpu.memref_slice %arg4[%add3A_28, %dma_wait3A_37] : memref<2048x768xf32, #tpu.memory_space<hbm>> -> memref<32x768xf32, #tpu.memory_space<hbm>>
    %dma_wait3A_39 = arith.constant 0 : i32
    %dma_wait3A_40 = tpu.memref_slice %arg4[%add3A_28, %dma_wait3A_39] : memref<2048x768xf32, #tpu.memory_space<hbm>> -> memref<32x768xf32, #tpu.memory_space<hbm>>
    tpu.wait_dma2 semaphore(%arg10 : memref<!tpu.dma_semaphore, #tpu.memory_space<semaphore_mem>>) src(%arg8 : memref<32x768xf32, #tpu.memory_space<vmem>>) dst(%dma_wait3A_40 : memref<32x768xf32, #tpu.memory_space<hbm>>)
    return
  }
}

#map = affine_map<(d0, d1) -> (0, 0)>
#map1 = affine_map<(d0, d1) -> (0)>
module attributes {stable_mosaic.version = 14 : i64} {
  func.func @k(%arg0: i32, %arg1: i32, %arg2: memref<2048x768xf32, #tpu.memory_space<hbm>>, %arg3: memref<2048xi32, #tpu.memory_space<hbm>>, %arg4: memref<2048x768xf32, #tpu.memory_space<hbm>>, %arg5: memref<32xi32, #tpu.memory_space<vmem>>, %arg6: memref<32xi32, #tpu.memory_space<vmem>>, %arg7: memref<32x768xf32, #tpu.memory_space<vmem>>, %arg8: memref<32x768xf32, #tpu.memory_space<vmem>>, %arg9: memref<!tpu.dma_semaphore, #tpu.memory_space<semaphore_mem>>, %arg10: memref<!tpu.dma_semaphore, #tpu.memory_space<semaphore_mem>>, %arg11: memref<!tpu.dma_semaphore, #tpu.memory_space<semaphore_mem>>, %arg12: memref<!tpu.dma_semaphore, #tpu.memory_space<semaphore_mem>>) attributes {dimension_semantics = [#tpu.dimension_semantics<core_parallel>, #tpu.dimension_semantics<subcore_parallel>], iteration_bounds = array<i64: 2, 16>, scalar_prefetch = 0 : i64, scratch_operands = 8 : i64, tpu.core_type = #tpu.core_type<sc_vector_subcore>, window_params = [{transform_indices = #map}, {transform_indices = #map1}, {transform_indices = #map}]} {
    %mul3A = arith.constant 2 : i32
    %mul3A_0 = arith.muli %arg1, %mul3A : i32
    %add3A = arith.addi %mul3A_0, %arg0 : i32
    %mul3A_1 = arith.constant 64 : i32
    %mul3A_2 = arith.muli %add3A, %mul3A_1 : i32
    %dma_start3A = tpu.memref_slice %arg3[%mul3A_2] : memref<2048xi32, #tpu.memory_space<hbm>> -> memref<32xi32, #tpu.memory_space<hbm>>
    %dma_start3A_3 = tpu.memref_slice %arg3[%mul3A_2] : memref<2048xi32, #tpu.memory_space<hbm>> -> memref<32xi32, #tpu.memory_space<hbm>>
    tpu.enqueue_dma source(%dma_start3A_3 : memref<32xi32, #tpu.memory_space<hbm>>) target(%arg5 : memref<32xi32, #tpu.memory_space<vmem>>) target_semaphore(%arg9 : memref<!tpu.dma_semaphore, #tpu.memory_space<semaphore_mem>>)
    %add3A_4 = arith.constant 32 : i32
    %add3A_5 = arith.addi %mul3A_2, %add3A_4 : i32
    %dma_start3A_6 = tpu.memref_slice %arg3[%add3A_5] : memref<2048xi32, #tpu.memory_space<hbm>> -> memref<32xi32, #tpu.memory_space<hbm>>
    %dma_start3A_7 = tpu.memref_slice %arg3[%add3A_5] : memref<2048xi32, #tpu.memory_space<hbm>> -> memref<32xi32, #tpu.memory_space<hbm>>
    tpu.enqueue_dma source(%dma_start3A_7 : memref<32xi32, #tpu.memory_space<hbm>>) target(%arg6 : memref<32xi32, #tpu.memory_space<vmem>>) target_semaphore(%arg10 : memref<!tpu.dma_semaphore, #tpu.memory_space<semaphore_mem>>)
    %dma_start3A_8 = arith.constant 0 : i32
    %dma_start3A_9 = tpu.memref_slice %arg2[%mul3A_2, %dma_start3A_8] : memref<2048x768xf32, #tpu.memory_space<hbm>> -> memref<32x768xf32, #tpu.memory_space<hbm>>
    %dma_start3A_10 = arith.constant 0 : i32
    %dma_start3A_11 = tpu.memref_slice %arg2[%mul3A_2, %dma_start3A_10] : memref<2048x768xf32, #tpu.memory_space<hbm>> -> memref<32x768xf32, #tpu.memory_space<hbm>>
    tpu.enqueue_dma source(%dma_start3A_11 : memref<32x768xf32, #tpu.memory_space<hbm>>) target(%arg7 : memref<32x768xf32, #tpu.memory_space<vmem>>) target_semaphore(%arg11 : memref<!tpu.dma_semaphore, #tpu.memory_space<semaphore_mem>>)
    %add3A_12 = arith.constant 32 : i32
    %add3A_13 = arith.addi %mul3A_2, %add3A_12 : i32
    %dma_start3A_14 = arith.constant 0 : i32
    %dma_start3A_15 = tpu.memref_slice %arg2[%add3A_13, %dma_start3A_14] : memref<2048x768xf32, #tpu.memory_space<hbm>> -> memref<32x768xf32, #tpu.memory_space<hbm>>
    %dma_start3A_16 = arith.constant 0 : i32
    %dma_start3A_17 = tpu.memref_slice %arg2[%add3A_13, %dma_start3A_16] : memref<2048x768xf32, #tpu.memory_space<hbm>> -> memref<32x768xf32, #tpu.memory_space<hbm>>
    tpu.enqueue_dma source(%dma_start3A_17 : memref<32x768xf32, #tpu.memory_space<hbm>>) target(%arg8 : memref<32x768xf32, #tpu.memory_space<vmem>>) target_semaphore(%arg12 : memref<!tpu.dma_semaphore, #tpu.memory_space<semaphore_mem>>)
    %dma_wait3A = tpu.memref_slice %arg3[%mul3A_2] : memref<2048xi32, #tpu.memory_space<hbm>> -> memref<32xi32, #tpu.memory_space<hbm>>
    %dma_wait3A_18 = tpu.memref_slice %arg3[%mul3A_2] : memref<2048xi32, #tpu.memory_space<hbm>> -> memref<32xi32, #tpu.memory_space<hbm>>
    tpu.wait_dma2 semaphore(%arg9 : memref<!tpu.dma_semaphore, #tpu.memory_space<semaphore_mem>>) src(%dma_wait3A_18 : memref<32xi32, #tpu.memory_space<hbm>>) dst(%arg5 : memref<32xi32, #tpu.memory_space<vmem>>)
    %dma_wait3A_19 = arith.constant 0 : i32
    %dma_wait3A_20 = tpu.memref_slice %arg2[%mul3A_2, %dma_wait3A_19] : memref<2048x768xf32, #tpu.memory_space<hbm>> -> memref<32x768xf32, #tpu.memory_space<hbm>>
    %dma_wait3A_21 = arith.constant 0 : i32
    %dma_wait3A_22 = tpu.memref_slice %arg2[%mul3A_2, %dma_wait3A_21] : memref<2048x768xf32, #tpu.memory_space<hbm>> -> memref<32x768xf32, #tpu.memory_space<hbm>>
    tpu.wait_dma2 semaphore(%arg11 : memref<!tpu.dma_semaphore, #tpu.memory_space<semaphore_mem>>) src(%dma_wait3A_22 : memref<32x768xf32, #tpu.memory_space<hbm>>) dst(%arg7 : memref<32x768xf32, #tpu.memory_space<vmem>>)
    %dma_start3A_23 = arith.constant 0 : i32
    %dma_start3A_24 = arith.constant 0 : i32
    %dma_start3A_25 = tpu.memref_slice %arg4[%dma_start3A_23, %dma_start3A_24] : memref<2048x768xf32, #tpu.memory_space<hbm>> -> memref<2048x768xf32, #tpu.memory_space<hbm>>
    tpu.enqueue_indirect_dma source(%arg7 : memref<32x768xf32, #tpu.memory_space<vmem>>) target(%dma_start3A_25 : memref<2048x768xf32, #tpu.memory_space<hbm>>) offsets(%arg5 : memref<32xi32, #tpu.memory_space<vmem>>) semaphore(%arg9 : memref<!tpu.dma_semaphore, #tpu.memory_space<semaphore_mem>>)
    %dma_wait3A_26 = tpu.memref_slice %arg3[%add3A_5] : memref<2048xi32, #tpu.memory_space<hbm>> -> memref<32xi32, #tpu.memory_space<hbm>>
    %dma_wait3A_27 = tpu.memref_slice %arg3[%add3A_5] : memref<2048xi32, #tpu.memory_space<hbm>> -> memref<32xi32, #tpu.memory_space<hbm>>
    tpu.wait_dma2 semaphore(%arg10 : memref<!tpu.dma_semaphore, #tpu.memory_space<semaphore_mem>>) src(%dma_wait3A_27 : memref<32xi32, #tpu.memory_space<hbm>>) dst(%arg6 : memref<32xi32, #tpu.memory_space<vmem>>)
    %dma_wait3A_28 = arith.constant 0 : i32
    %dma_wait3A_29 = tpu.memref_slice %arg2[%add3A_13, %dma_wait3A_28] : memref<2048x768xf32, #tpu.memory_space<hbm>> -> memref<32x768xf32, #tpu.memory_space<hbm>>
    %dma_wait3A_30 = arith.constant 0 : i32
    %dma_wait3A_31 = tpu.memref_slice %arg2[%add3A_13, %dma_wait3A_30] : memref<2048x768xf32, #tpu.memory_space<hbm>> -> memref<32x768xf32, #tpu.memory_space<hbm>>
    tpu.wait_dma2 semaphore(%arg12 : memref<!tpu.dma_semaphore, #tpu.memory_space<semaphore_mem>>) src(%dma_wait3A_31 : memref<32x768xf32, #tpu.memory_space<hbm>>) dst(%arg8 : memref<32x768xf32, #tpu.memory_space<vmem>>)
    %dma_start3A_32 = arith.constant 0 : i32
    %dma_start3A_33 = arith.constant 0 : i32
    %dma_start3A_34 = tpu.memref_slice %arg4[%dma_start3A_32, %dma_start3A_33] : memref<2048x768xf32, #tpu.memory_space<hbm>> -> memref<2048x768xf32, #tpu.memory_space<hbm>>
    tpu.enqueue_indirect_dma source(%arg8 : memref<32x768xf32, #tpu.memory_space<vmem>>) target(%dma_start3A_34 : memref<2048x768xf32, #tpu.memory_space<hbm>>) offsets(%arg6 : memref<32xi32, #tpu.memory_space<vmem>>) semaphore(%arg10 : memref<!tpu.dma_semaphore, #tpu.memory_space<semaphore_mem>>)
    %dma_wait3A_35 = arith.constant 0 : i32
    %dma_wait3A_36 = arith.constant 0 : i32
    %dma_wait3A_37 = tpu.memref_slice %arg4[%dma_wait3A_35, %dma_wait3A_36] : memref<2048x768xf32, #tpu.memory_space<hbm>> -> memref<2048x768xf32, #tpu.memory_space<hbm>>
    tpu.wait_indirect_dma semaphore(%arg9 : memref<!tpu.dma_semaphore, #tpu.memory_space<semaphore_mem>>) src(%arg7 : memref<32x768xf32, #tpu.memory_space<vmem>>) dst(%dma_wait3A_37 : memref<2048x768xf32, #tpu.memory_space<hbm>>)
    %dma_wait3A_38 = arith.constant 0 : i32
    %dma_wait3A_39 = arith.constant 0 : i32
    %dma_wait3A_40 = tpu.memref_slice %arg4[%dma_wait3A_38, %dma_wait3A_39] : memref<2048x768xf32, #tpu.memory_space<hbm>> -> memref<2048x768xf32, #tpu.memory_space<hbm>>
    tpu.wait_indirect_dma semaphore(%arg10 : memref<!tpu.dma_semaphore, #tpu.memory_space<semaphore_mem>>) src(%arg8 : memref<32x768xf32, #tpu.memory_space<vmem>>) dst(%dma_wait3A_40 : memref<2048x768xf32, #tpu.memory_space<hbm>>)
    return
  }
}

module attributes {stable_mosaic.version = 14 : i64} {
  func.func @_router_body(%arg0: i32, %arg1: memref<512x768xf32, #tpu.memory_space<vmem>>, %arg2: memref<768x64xf32, #tpu.memory_space<vmem>>, %arg3: memref<1x64xf32, #tpu.memory_space<vmem>>, %arg4: memref<2048x1xi32, #tpu.memory_space<vmem>>, %arg5: memref<1x64xi32, #tpu.memory_space<vmem>>, %arg6: memref<1x64xi32, #tpu.memory_space<vmem>>, %arg7: memref<2048x64xf32, #tpu.memory_space<vmem>>) attributes {dimension_semantics = [#tpu.dimension_semantics<arbitrary>], iteration_bounds = array<i64: 4>, scalar_prefetch = 0 : i64, scratch_operands = 1 : i64, tpu.core_type = #tpu.core_type<tc>, window_params = [{transform_indices = @transform_0, window_bounds = array<i64: 512, 768>}, {pipeline_mode = #tpu.pipeline_mode<synchronous>, transform_indices = @transform_1, window_bounds = array<i64: 768, 64>}, {pipeline_mode = #tpu.pipeline_mode<synchronous>, transform_indices = @transform_2, window_bounds = array<i64: 1, 64>}, {pipeline_mode = #tpu.pipeline_mode<synchronous>, transform_indices = @transform_3, window_bounds = array<i64: 2048, 1>}, {pipeline_mode = #tpu.pipeline_mode<synchronous>, transform_indices = @transform_4, window_bounds = array<i64: 1, 64>}, {pipeline_mode = #tpu.pipeline_mode<synchronous>, transform_indices = @transform_5, window_bounds = array<i64: 1, 64>}]} {
    %get3A = arith.constant 0 : index
    %get3A_0 = arith.constant 0 : index
    %get3A_1 = vector.load %arg1[%get3A, %get3A_0] : memref<512x768xf32, #tpu.memory_space<vmem>>, vector<512x768xf32>
    %get3A_2 = arith.constant 0 : index
    %get3A_3 = arith.constant 0 : index
    %get3A_4 = vector.load %arg2[%get3A_2, %get3A_3] : memref<768x64xf32, #tpu.memory_space<vmem>>, vector<768x64xf32>
    %dot_general3A = arith.constant dense<0.000000e+00> : vector<512x64xf32>
    %dot_general3A_5 = tpu.matmul %get3A_1, %get3A_4, %dot_general3A {dimension_numbers = #tpu.dot_dimension_numbers<[1], [0], [0], [1], [0, 0, 1, 1], [], []>, transpose_lhs_hint = false} : vector<512x768xf32>, vector<768x64xf32>, vector<512x64xf32> -> vector<512x64xf32>
    %get3A_6 = arith.constant 0 : index
    %get3A_7 = arith.constant 0 : index
    %get3A_8 = vector.load %arg3[%get3A_6, %get3A_7] : memref<1x64xf32, #tpu.memory_space<vmem>>, vector<1x64xf32>
    %add3A = vector.broadcast %get3A_8 : vector<1x64xf32> to vector<512x64xf32>
    %add3A_9 = arith.addf %dot_general3A_5, %add3A : vector<512x64xf32>
    %reduce_max3A = arith.constant dense<0xFF800000> : vector<512xf32>
    %reduce_max3A_10 = vector.multi_reduction <maximumf>, %add3A_9, %reduce_max3A [1] : vector<512x64xf32> to vector<512xf32>
    %broadcast_in_dim3A = vector.shape_cast %reduce_max3A_10 : vector<512xf32> to vector<512x1xf32>
    %iota3A = tpu.iota {dimensions = array<i32: 1>} : vector<512x64xi32>
    %ge3A = vector.broadcast %broadcast_in_dim3A : vector<512x1xf32> to vector<512x64xf32>
    %ge3A_11 = arith.cmpf oge, %add3A_9, %ge3A : vector<512x64xf32>
    %jit3A = arith.constant 64 : i32
    %broadcast_in_dim3A_12 = vector.broadcast %jit3A : i32 to vector<512x64xi32>
    %select_n3A = arith.select %ge3A_11, %iota3A, %broadcast_in_dim3A_12 : vector<512x64xi1>, vector<512x64xi32>
    %reduce_min3A = arith.constant dense<2147483647> : vector<512xi32>
    %reduce_min3A_13 = vector.multi_reduction <minsi>, %select_n3A, %reduce_min3A [1] : vector<512x64xi32> to vector<512xi32>
    %broadcast_in_dim3A_14 = vector.shape_cast %reduce_min3A_13 : vector<512xi32> to vector<512x1xi32>
    %eq3A = vector.broadcast %broadcast_in_dim3A_14 : vector<512x1xi32> to vector<512x64xi32>
    %eq3A_15 = arith.cmpi eq, %iota3A, %eq3A : vector<512x64xi32>
    %convert_element_type3A = arith.extui %eq3A_15 : vector<512x64xi1> to vector<512x64xi32>
    %convert_element_type3A_16 = arith.sitofp %convert_element_type3A : vector<512x64xi32> to vector<512x64xf32>
    %mul3A = arith.constant 512 : i32
    %mul3A_17 = arith.muli %arg0, %mul3A : i32
    %swap3A = arith.index_cast %mul3A_17 : i32 to index
    %swap3A_18 = arith.constant 0 : index
    %swap3A_19 = vector.load %arg7[%swap3A, %swap3A_18] : memref<2048x64xf32, #tpu.memory_space<vmem>>, vector<512x64xf32>
    tpu.vector_store %arg7[%swap3A, %swap3A_18], %convert_element_type3A_16 {strides = array<i32>} : memref<2048x64xf32, #tpu.memory_space<vmem>>, vector<512x64xf32>,
    %eq3A_20 = arith.constant 3 : i32
    %eq3A_21 = arith.cmpi eq, %arg0, %eq3A_20 : i32
    %convert_element_type3A_22 = arith.extui %eq3A_21 : i1 to i32
    %cond3A = arith.constant 0 : i32
    %cond3A_23 = arith.cmpi ne, %convert_element_type3A_22, %cond3A : i32
    scf.if %cond3A_23 {
      %get3A_24 = arith.constant 0 : index
      %get3A_25 = arith.constant 0 : index
      %get3A_26 = vector.load %arg7[%get3A_24, %get3A_25] : memref<2048x64xf32, #tpu.memory_space<vmem>>, vector<2048x64xf32>
      %iota3A_27 = tpu.iota {dimensions = array<i32: 0>} : vector<16x2048xi32>
      %iota3A_28 = tpu.iota {dimensions = array<i32: 1>} : vector<16x2048xi32>
      %jit3A_29 = arith.constant 128 : i32
      %div3A = vector.broadcast %jit3A_29 : i32 to vector<16x2048xi32>
      %div3A_30 = arith.divsi %iota3A_28, %div3A : vector<16x2048xi32>
      %sign3A = arith.constant 0 : i32
      %sign3A_31 = vector.broadcast %sign3A : i32 to vector<16x2048xi32>
      %sign3A_32 = arith.cmpi sgt, %iota3A_28, %sign3A_31 : vector<16x2048xi32>
      %sign3A_33 = arith.extui %sign3A_32 : vector<16x2048xi1> to vector<16x2048xi32>
      %sign3A_34 = arith.constant 0 : i32
      %sign3A_35 = vector.broadcast %sign3A_34 : i32 to vector<16x2048xi32>
      %sign3A_36 = arith.cmpi slt, %iota3A_28, %sign3A_35 : vector<16x2048xi32>
      %sign3A_37 = arith.extui %sign3A_36 : vector<16x2048xi1> to vector<16x2048xi32>
      %sign3A_38 = arith.subi %sign3A_33, %sign3A_37 : vector<16x2048xi32>
      %sign3A_39 = arith.constant 0 : i32
      %sign3A_40 = arith.cmpi sgt, %jit3A_29, %sign3A_39 : i32
      %sign3A_41 = arith.extui %sign3A_40 : i1 to i32
      %sign3A_42 = arith.constant 0 : i32
      %sign3A_43 = arith.cmpi slt, %jit3A_29, %sign3A_42 : i32
      %sign3A_44 = arith.extui %sign3A_43 : i1 to i32
      %sign3A_45 = arith.subi %sign3A_41, %sign3A_44 : i32
      %ne3A = vector.broadcast %sign3A_45 : i32 to vector<16x2048xi32>
      %ne3A_46 = arith.cmpi ne, %sign3A_38, %ne3A : vector<16x2048xi32>
      %rem3A = vector.broadcast %jit3A_29 : i32 to vector<16x2048xi32>
      %rem3A_47 = arith.remsi %iota3A_28, %rem3A : vector<16x2048xi32>
      %ne3A_48 = arith.constant 0 : i32
      %ne3A_49 = vector.broadcast %ne3A_48 : i32 to vector<16x2048xi32>
      %ne3A_50 = arith.cmpi ne, %rem3A_47, %ne3A_49 : vector<16x2048xi32>
      %and3A = arith.andi %ne3A_46, %ne3A_50 : vector<16x2048xi1>
      %sub3A = arith.constant 1 : i32
      %sub3A_51 = vector.broadcast %sub3A : i32 to vector<16x2048xi32>
      %sub3A_52 = arith.subi %div3A_30, %sub3A_51 : vector<16x2048xi32>
      %select_n3A_53 = arith.select %and3A, %sub3A_52, %div3A_30 : vector<16x2048xi1>, vector<16x2048xi32>
      %eq3A_54 = arith.cmpi eq, %select_n3A_53, %iota3A_27 : vector<16x2048xi32>
      %convert_element_type3A_55 = arith.extui %eq3A_54 : vector<16x2048xi1> to vector<16x2048xi32>
      %convert_element_type3A_56 = arith.sitofp %convert_element_type3A_55 : vector<16x2048xi32> to vector<16x2048xf32>
      %convert_element_type3A_57 = arith.truncf %convert_element_type3A_56 : vector<16x2048xf32> to vector<16x2048xbf16>
      %convert_element_type3A_58 = arith.truncf %get3A_26 : vector<2048x64xf32> to vector<2048x64xbf16>
      %dot_general3A_59 = arith.constant dense<0.000000e+00> : vector<16x64xf32>
      %dot_general3A_60 = tpu.matmul %convert_element_type3A_57, %convert_element_type3A_58, %dot_general3A_59 {dimension_numbers = #tpu.dot_dimension_numbers<[1], [0], [0], [1], [0, 0, 1, 1], [], []>, transpose_lhs_hint = false} : vector<16x2048xbf16>, vector<2048x64xbf16>, vector<16x64xf32> -> vector<16x64xf32>
      %iota3A_61 = tpu.iota {dimensions = array<i32: 0>} : vector<16x16xi32>
      %iota3A_62 = tpu.iota {dimensions = array<i32: 1>} : vector<16x16xi32>
      %lt3A = arith.cmpi slt, %iota3A_62, %iota3A_61 : vector<16x16xi32>
      %convert_element_type3A_63 = arith.extui %lt3A : vector<16x16xi1> to vector<16x16xi32>
      %convert_element_type3A_64 = arith.sitofp %convert_element_type3A_63 : vector<16x16xi32> to vector<16x16xf32>
      %dot_general3A_65 = arith.constant dense<0.000000e+00> : vector<16x64xf32>
      %dot_general3A_66 = tpu.matmul %convert_element_type3A_64, %dot_general3A_60, %dot_general3A_65 {dimension_numbers = #tpu.dot_dimension_numbers<[1], [0], [0], [1], [0, 0, 1, 1], [], []>, transpose_lhs_hint = false} : vector<16x16xf32>, vector<16x64xf32>, vector<16x64xf32> -> vector<16x64xf32>
      %reduce_sum3A = arith.constant dense<0.000000e+00> : vector<64xf32>
      %reduce_sum3A_67 = vector.multi_reduction <add>, %dot_general3A_60, %reduce_sum3A [0] : vector<16x64xf32> to vector<64xf32>
      %broadcast_in_dim3A_68 = vector.shape_cast %reduce_sum3A_67 : vector<64xf32> to vector<1x64xf32>
      %iota3A_69 = tpu.iota {dimensions = array<i32: 0>} : vector<64x64xi32>
      %iota3A_70 = tpu.iota {dimensions = array<i32: 1>} : vector<64x64xi32>
      %lt3A_71 = arith.cmpi slt, %iota3A_69, %iota3A_70 : vector<64x64xi32>
      %convert_element_type3A_72 = arith.extui %lt3A_71 : vector<64x64xi1> to vector<64x64xi32>
      %convert_element_type3A_73 = arith.sitofp %convert_element_type3A_72 : vector<64x64xi32> to vector<64x64xf32>
      %dot_general3A_74 = arith.constant dense<0.000000e+00> : vector<1x64xf32>
      %dot_general3A_75 = tpu.matmul %broadcast_in_dim3A_68, %convert_element_type3A_73, %dot_general3A_74 {dimension_numbers = #tpu.dot_dimension_numbers<[1], [0], [0], [1], [0, 0, 1, 1], [], []>, transpose_lhs_hint = false} : vector<1x64xf32>, vector<64x64xf32>, vector<1x64xf32> -> vector<1x64xf32>
      %convert_element_type3A_76 = arith.fptosi %dot_general3A_75 : vector<1x64xf32> to vector<1x64xi32>
      %swap3A_77 = arith.constant 0 : index
      %swap3A_78 = arith.constant 0 : index
      %swap3A_79 = vector.load %arg5[%swap3A_77, %swap3A_78] : memref<1x64xi32, #tpu.memory_space<vmem>>, vector<1x64xi32>
      tpu.vector_store %arg5[%swap3A_77, %swap3A_78], %convert_element_type3A_76 {strides = array<i32>} : memref<1x64xi32, #tpu.memory_space<vmem>>, vector<1x64xi32>,
      %add3A_80 = arith.addf %dot_general3A_75, %broadcast_in_dim3A_68 : vector<1x64xf32>
      %convert_element_type3A_81 = arith.fptosi %add3A_80 : vector<1x64xf32> to vector<1x64xi32>
      %swap3A_82 = arith.constant 0 : index
      %swap3A_83 = arith.constant 0 : index
      %swap3A_84 = vector.load %arg6[%swap3A_82, %swap3A_83] : memref<1x64xi32, #tpu.memory_space<vmem>>, vector<1x64xi32>
      tpu.vector_store %arg6[%swap3A_82, %swap3A_83], %convert_element_type3A_81 {strides = array<i32>} : memref<1x64xi32, #tpu.memory_space<vmem>>, vector<1x64xi32>,
      %iota3A_85 = tpu.iota {dimensions = array<i32: 0>} : vector<128x128xi32>
      %iota3A_86 = tpu.iota {dimensions = array<i32: 1>} : vector<128x128xi32>
      %ge3A_87 = arith.cmpi sge, %iota3A_85, %iota3A_86 : vector<128x128xi32>
      %convert_element_type3A_88 = arith.extui %ge3A_87 : vector<128x128xi1> to vector<128x128xi32>
      %convert_element_type3A_89 = arith.sitofp %convert_element_type3A_88 : vector<128x128xi32> to vector<128x128xf32>
      %convert_element_type3A_90 = arith.truncf %convert_element_type3A_89 : vector<128x128xf32> to vector<128x128xbf16>
      %slice3A = vector.extract_strided_slice %get3A_26 {offsets = [0, 0], sizes = [128, 64], strides = [1, 1]} : vector<2048x64xf32> to vector<128x64xf32>
      %convert_element_type3A_91 = arith.truncf %slice3A : vector<128x64xf32> to vector<128x64xbf16>
      %dot_general3A_92 = arith.constant dense<0.000000e+00> : vector<128x64xf32>
      %dot_general3A_93 = tpu.matmul %convert_element_type3A_90, %convert_element_type3A_91, %dot_general3A_92 {dimension_numbers = #tpu.dot_dimension_numbers<[1], [0], [0], [1], [0, 0, 1, 1], [], []>, transpose_lhs_hint = false} : vector<128x128xbf16>, vector<128x64xbf16>, vector<128x64xf32> -> vector<128x64xf32>
      %slice3A_94 = vector.extract_strided_slice %dot_general3A_66 {offsets = [0, 0], sizes = [1, 64], strides = [1, 1]} : vector<16x64xf32> to vector<1x64xf32>
      %add3A_95 = vector.broadcast %slice3A_94 : vector<1x64xf32> to vector<128x64xf32>
      %add3A_96 = arith.addf %dot_general3A_93, %add3A_95 : vector<128x64xf32>
      %add3A_97 = vector.broadcast %dot_general3A_75 : vector<1x64xf32> to vector<128x64xf32>
      %add3A_98 = arith.addf %add3A_96, %add3A_97 : vector<128x64xf32>
      %mul3A_99 = arith.mulf %slice3A, %add3A_98 : vector<128x64xf32>
      %reduce_sum3A_100 = arith.constant dense<0.000000e+00> : vector<128xf32>
      %reduce_sum3A_101 = vector.multi_reduction <add>, %mul3A_99, %reduce_sum3A_100 [1] : vector<128x64xf32> to vector<128xf32>
      %broadcast_in_dim3A_102 = vector.shape_cast %reduce_sum3A_101 : vector<128xf32> to vector<128x1xf32>
      %sub3A_103 = arith.constant 1.000000e+00 : f32
      %sub3A_104 = vector.broadcast %sub3A_103 : f32 to vector<128x1xf32>
      %sub3A_105 = arith.subf %broadcast_in_dim3A_102, %sub3A_104 : vector<128x1xf32>
      %convert_element_type3A_106 = arith.fptosi %sub3A_105 : vector<128x1xf32> to vector<128x1xi32>
      %swap3A_107 = arith.constant 0 : index
      %swap3A_108 = arith.constant 0 : index
      %swap3A_109 = vector.load %arg4[%swap3A_107, %swap3A_108] : memref<2048x1xi32, #tpu.memory_space<vmem>>, vector<128x1xi32>
      tpu.vector_store %arg4[%swap3A_107, %swap3A_108], %convert_element_type3A_106 {strides = array<i32>} : memref<2048x1xi32, #tpu.memory_space<vmem>>, vector<128x1xi32>,
      %slice3A_110 = vector.extract_strided_slice %get3A_26 {offsets = [128, 0], sizes = [128, 64], strides = [1, 1]} : vector<2048x64xf32> to vector<128x64xf32>
      %convert_element_type3A_111 = arith.truncf %slice3A_110 : vector<128x64xf32> to vector<128x64xbf16>
      %dot_general3A_112 = arith.constant dense<0.000000e+00> : vector<128x64xf32>
      %dot_general3A_113 = tpu.matmul %convert_element_type3A_90, %convert_element_type3A_111, %dot_general3A_112 {dimension_numbers = #tpu.dot_dimension_numbers<[1], [0], [0], [1], [0, 0, 1, 1], [], []>, transpose_lhs_hint = false} : vector<128x128xbf16>, vector<128x64xbf16>, vector<128x64xf32> -> vector<128x64xf32>
      %slice3A_114 = vector.extract_strided_slice %dot_general3A_66 {offsets = [1, 0], sizes = [1, 64], strides = [1, 1]} : vector<16x64xf32> to vector<1x64xf32>
      %add3A_115 = vector.broadcast %slice3A_114 : vector<1x64xf32> to vector<128x64xf32>
      %add3A_116 = arith.addf %dot_general3A_113, %add3A_115 : vector<128x64xf32>
      %add3A_117 = vector.broadcast %dot_general3A_75 : vector<1x64xf32> to vector<128x64xf32>
      %add3A_118 = arith.addf %add3A_116, %add3A_117 : vector<128x64xf32>
      %mul3A_119 = arith.mulf %slice3A_110, %add3A_118 : vector<128x64xf32>
      %reduce_sum3A_120 = arith.constant dense<0.000000e+00> : vector<128xf32>
      %reduce_sum3A_121 = vector.multi_reduction <add>, %mul3A_119, %reduce_sum3A_120 [1] : vector<128x64xf32> to vector<128xf32>
      %broadcast_in_dim3A_122 = vector.shape_cast %reduce_sum3A_121 : vector<128xf32> to vector<128x1xf32>
      %sub3A_123 = arith.constant 1.000000e+00 : f32
      %sub3A_124 = vector.broadcast %sub3A_123 : f32 to vector<128x1xf32>
      %sub3A_125 = arith.subf %broadcast_in_dim3A_122, %sub3A_124 : vector<128x1xf32>
      %convert_element_type3A_126 = arith.fptosi %sub3A_125 : vector<128x1xf32> to vector<128x1xi32>
      %swap3A_127 = arith.constant 128 : index
      %swap3A_128 = arith.constant 0 : index
      %swap3A_129 = vector.load %arg4[%swap3A_127, %swap3A_128] : memref<2048x1xi32, #tpu.memory_space<vmem>>, vector<128x1xi32>
      tpu.vector_store %arg4[%swap3A_127, %swap3A_128], %convert_element_type3A_126 {strides = array<i32>} : memref<2048x1xi32, #tpu.memory_space<vmem>>, vector<128x1xi32>,
      %slice3A_130 = vector.extract_strided_slice %get3A_26 {offsets = [256, 0], sizes = [128, 64], strides = [1, 1]} : vector<2048x64xf32> to vector<128x64xf32>
      %convert_element_type3A_131 = arith.truncf %slice3A_130 : vector<128x64xf32> to vector<128x64xbf16>
      %dot_general3A_132 = arith.constant dense<0.000000e+00> : vector<128x64xf32>
      %dot_general3A_133 = tpu.matmul %convert_element_type3A_90, %convert_element_type3A_131, %dot_general3A_132 {dimension_numbers = #tpu.dot_dimension_numbers<[1], [0], [0], [1], [0, 0, 1, 1], [], []>, transpose_lhs_hint = false} : vector<128x128xbf16>, vector<128x64xbf16>, vector<128x64xf32> -> vector<128x64xf32>
      %slice3A_134 = vector.extract_strided_slice %dot_general3A_66 {offsets = [2, 0], sizes = [1, 64], strides = [1, 1]} : vector<16x64xf32> to vector<1x64xf32>
      %add3A_135 = vector.broadcast %slice3A_134 : vector<1x64xf32> to vector<128x64xf32>
      %add3A_136 = arith.addf %dot_general3A_133, %add3A_135 : vector<128x64xf32>
      %add3A_137 = vector.broadcast %dot_general3A_75 : vector<1x64xf32> to vector<128x64xf32>
      %add3A_138 = arith.addf %add3A_136, %add3A_137 : vector<128x64xf32>
      %mul3A_139 = arith.mulf %slice3A_130, %add3A_138 : vector<128x64xf32>
      %reduce_sum3A_140 = arith.constant dense<0.000000e+00> : vector<128xf32>
      %reduce_sum3A_141 = vector.multi_reduction <add>, %mul3A_139, %reduce_sum3A_140 [1] : vector<128x64xf32> to vector<128xf32>
      %broadcast_in_dim3A_142 = vector.shape_cast %reduce_sum3A_141 : vector<128xf32> to vector<128x1xf32>
      %sub3A_143 = arith.constant 1.000000e+00 : f32
      %sub3A_144 = vector.broadcast %sub3A_143 : f32 to vector<128x1xf32>
      %sub3A_145 = arith.subf %broadcast_in_dim3A_142, %sub3A_144 : vector<128x1xf32>
      %convert_element_type3A_146 = arith.fptosi %sub3A_145 : vector<128x1xf32> to vector<128x1xi32>
      %swap3A_147 = arith.constant 256 : index
      %swap3A_148 = arith.constant 0 : index
      %swap3A_149 = vector.load %arg4[%swap3A_147, %swap3A_148] : memref<2048x1xi32, #tpu.memory_space<vmem>>, vector<128x1xi32>
      tpu.vector_store %arg4[%swap3A_147, %swap3A_148], %convert_element_type3A_146 {strides = array<i32>} : memref<2048x1xi32, #tpu.memory_space<vmem>>, vector<128x1xi32>,
      %slice3A_150 = vector.extract_strided_slice %get3A_26 {offsets = [384, 0], sizes = [128, 64], strides = [1, 1]} : vector<2048x64xf32> to vector<128x64xf32>
      %convert_element_type3A_151 = arith.truncf %slice3A_150 : vector<128x64xf32> to vector<128x64xbf16>
      %dot_general3A_152 = arith.constant dense<0.000000e+00> : vector<128x64xf32>
      %dot_general3A_153 = tpu.matmul %convert_element_type3A_90, %convert_element_type3A_151, %dot_general3A_152 {dimension_numbers = #tpu.dot_dimension_numbers<[1], [0], [0], [1], [0, 0, 1, 1], [], []>, transpose_lhs_hint = false} : vector<128x128xbf16>, vector<128x64xbf16>, vector<128x64xf32> -> vector<128x64xf32>
      %slice3A_154 = vector.extract_strided_slice %dot_general3A_66 {offsets = [3, 0], sizes = [1, 64], strides = [1, 1]} : vector<16x64xf32> to vector<1x64xf32>
      %add3A_155 = vector.broadcast %slice3A_154 : vector<1x64xf32> to vector<128x64xf32>
      %add3A_156 = arith.addf %dot_general3A_153, %add3A_155 : vector<128x64xf32>
      %add3A_157 = vector.broadcast %dot_general3A_75 : vector<1x64xf32> to vector<128x64xf32>
      %add3A_158 = arith.addf %add3A_156, %add3A_157 : vector<128x64xf32>
      %mul3A_159 = arith.mulf %slice3A_150, %add3A_158 : vector<128x64xf32>
      %reduce_sum3A_160 = arith.constant dense<0.000000e+00> : vector<128xf32>
      %reduce_sum3A_161 = vector.multi_reduction <add>, %mul3A_159, %reduce_sum3A_160 [1] : vector<128x64xf32> to vector<128xf32>
      %broadcast_in_dim3A_162 = vector.shape_cast %reduce_sum3A_161 : vector<128xf32> to vector<128x1xf32>
      %sub3A_163 = arith.constant 1.000000e+00 : f32
      %sub3A_164 = vector.broadcast %sub3A_163 : f32 to vector<128x1xf32>
      %sub3A_165 = arith.subf %broadcast_in_dim3A_162, %sub3A_164 : vector<128x1xf32>
      %convert_element_type3A_166 = arith.fptosi %sub3A_165 : vector<128x1xf32> to vector<128x1xi32>
      %swap3A_167 = arith.constant 384 : index
      %swap3A_168 = arith.constant 0 : index
      %swap3A_169 = vector.load %arg4[%swap3A_167, %swap3A_168] : memref<2048x1xi32, #tpu.memory_space<vmem>>, vector<128x1xi32>
      tpu.vector_store %arg4[%swap3A_167, %swap3A_168], %convert_element_type3A_166 {strides = array<i32>} : memref<2048x1xi32, #tpu.memory_space<vmem>>, vector<128x1xi32>,
      %slice3A_170 = vector.extract_strided_slice %get3A_26 {offsets = [512, 0], sizes = [128, 64], strides = [1, 1]} : vector<2048x64xf32> to vector<128x64xf32>
      %convert_element_type3A_171 = arith.truncf %slice3A_170 : vector<128x64xf32> to vector<128x64xbf16>
      %dot_general3A_172 = arith.constant dense<0.000000e+00> : vector<128x64xf32>
      %dot_general3A_173 = tpu.matmul %convert_element_type3A_90, %convert_element_type3A_171, %dot_general3A_172 {dimension_numbers = #tpu.dot_dimension_numbers<[1], [0], [0], [1], [0, 0, 1, 1], [], []>, transpose_lhs_hint = false} : vector<128x128xbf16>, vector<128x64xbf16>, vector<128x64xf32> -> vector<128x64xf32>
      %slice3A_174 = vector.extract_strided_slice %dot_general3A_66 {offsets = [4, 0], sizes = [1, 64], strides = [1, 1]} : vector<16x64xf32> to vector<1x64xf32>
      %add3A_175 = vector.broadcast %slice3A_174 : vector<1x64xf32> to vector<128x64xf32>
      %add3A_176 = arith.addf %dot_general3A_173, %add3A_175 : vector<128x64xf32>
      %add3A_177 = vector.broadcast %dot_general3A_75 : vector<1x64xf32> to vector<128x64xf32>
      %add3A_178 = arith.addf %add3A_176, %add3A_177 : vector<128x64xf32>
      %mul3A_179 = arith.mulf %slice3A_170, %add3A_178 : vector<128x64xf32>
      %reduce_sum3A_180 = arith.constant dense<0.000000e+00> : vector<128xf32>
      %reduce_sum3A_181 = vector.multi_reduction <add>, %mul3A_179, %reduce_sum3A_180 [1] : vector<128x64xf32> to vector<128xf32>
      %broadcast_in_dim3A_182 = vector.shape_cast %reduce_sum3A_181 : vector<128xf32> to vector<128x1xf32>
      %sub3A_183 = arith.constant 1.000000e+00 : f32
      %sub3A_184 = vector.broadcast %sub3A_183 : f32 to vector<128x1xf32>
      %sub3A_185 = arith.subf %broadcast_in_dim3A_182, %sub3A_184 : vector<128x1xf32>
      %convert_element_type3A_186 = arith.fptosi %sub3A_185 : vector<128x1xf32> to vector<128x1xi32>
      %swap3A_187 = arith.constant 512 : index
      %swap3A_188 = arith.constant 0 : index
      %swap3A_189 = vector.load %arg4[%swap3A_187, %swap3A_188] : memref<2048x1xi32, #tpu.memory_space<vmem>>, vector<128x1xi32>
      tpu.vector_store %arg4[%swap3A_187, %swap3A_188], %convert_element_type3A_186 {strides = array<i32>} : memref<2048x1xi32, #tpu.memory_space<vmem>>, vector<128x1xi32>,
      %slice3A_190 = vector.extract_strided_slice %get3A_26 {offsets = [640, 0], sizes = [128, 64], strides = [1, 1]} : vector<2048x64xf32> to vector<128x64xf32>
      %convert_element_type3A_191 = arith.truncf %slice3A_190 : vector<128x64xf32> to vector<128x64xbf16>
      %dot_general3A_192 = arith.constant dense<0.000000e+00> : vector<128x64xf32>
      %dot_general3A_193 = tpu.matmul %convert_element_type3A_90, %convert_element_type3A_191, %dot_general3A_192 {dimension_numbers = #tpu.dot_dimension_numbers<[1], [0], [0], [1], [0, 0, 1, 1], [], []>, transpose_lhs_hint = false} : vector<128x128xbf16>, vector<128x64xbf16>, vector<128x64xf32> -> vector<128x64xf32>
      %slice3A_194 = vector.extract_strided_slice %dot_general3A_66 {offsets = [5, 0], sizes = [1, 64], strides = [1, 1]} : vector<16x64xf32> to vector<1x64xf32>
      %add3A_195 = vector.broadcast %slice3A_194 : vector<1x64xf32> to vector<128x64xf32>
      %add3A_196 = arith.addf %dot_general3A_193, %add3A_195 : vector<128x64xf32>
      %add3A_197 = vector.broadcast %dot_general3A_75 : vector<1x64xf32> to vector<128x64xf32>
      %add3A_198 = arith.addf %add3A_196, %add3A_197 : vector<128x64xf32>
      %mul3A_199 = arith.mulf %slice3A_190, %add3A_198 : vector<128x64xf32>
      %reduce_sum3A_200 = arith.constant dense<0.000000e+00> : vector<128xf32>
      %reduce_sum3A_201 = vector.multi_reduction <add>, %mul3A_199, %reduce_sum3A_200 [1] : vector<128x64xf32> to vector<128xf32>
      %broadcast_in_dim3A_202 = vector.shape_cast %reduce_sum3A_201 : vector<128xf32> to vector<128x1xf32>
      %sub3A_203 = arith.constant 1.000000e+00 : f32
      %sub3A_204 = vector.broadcast %sub3A_203 : f32 to vector<128x1xf32>
      %sub3A_205 = arith.subf %broadcast_in_dim3A_202, %sub3A_204 : vector<128x1xf32>
      %convert_element_type3A_206 = arith.fptosi %sub3A_205 : vector<128x1xf32> to vector<128x1xi32>
      %swap3A_207 = arith.constant 640 : index
      %swap3A_208 = arith.constant 0 : index
      %swap3A_209 = vector.load %arg4[%swap3A_207, %swap3A_208] : memref<2048x1xi32, #tpu.memory_space<vmem>>, vector<128x1xi32>
      tpu.vector_store %arg4[%swap3A_207, %swap3A_208], %convert_element_type3A_206 {strides = array<i32>} : memref<2048x1xi32, #tpu.memory_space<vmem>>, vector<128x1xi32>,
      %slice3A_210 = vector.extract_strided_slice %get3A_26 {offsets = [768, 0], sizes = [128, 64], strides = [1, 1]} : vector<2048x64xf32> to vector<128x64xf32>
      %convert_element_type3A_211 = arith.truncf %slice3A_210 : vector<128x64xf32> to vector<128x64xbf16>
      %dot_general3A_212 = arith.constant dense<0.000000e+00> : vector<128x64xf32>
      %dot_general3A_213 = tpu.matmul %convert_element_type3A_90, %convert_element_type3A_211, %dot_general3A_212 {dimension_numbers = #tpu.dot_dimension_numbers<[1], [0], [0], [1], [0, 0, 1, 1], [], []>, transpose_lhs_hint = false} : vector<128x128xbf16>, vector<128x64xbf16>, vector<128x64xf32> -> vector<128x64xf32>
      %slice3A_214 = vector.extract_strided_slice %dot_general3A_66 {offsets = [6, 0], sizes = [1, 64], strides = [1, 1]} : vector<16x64xf32> to vector<1x64xf32>
      %add3A_215 = vector.broadcast %slice3A_214 : vector<1x64xf32> to vector<128x64xf32>
      %add3A_216 = arith.addf %dot_general3A_213, %add3A_215 : vector<128x64xf32>
      %add3A_217 = vector.broadcast %dot_general3A_75 : vector<1x64xf32> to vector<128x64xf32>
      %add3A_218 = arith.addf %add3A_216, %add3A_217 : vector<128x64xf32>
      %mul3A_219 = arith.mulf %slice3A_210, %add3A_218 : vector<128x64xf32>
      %reduce_sum3A_220 = arith.constant dense<0.000000e+00> : vector<128xf32>
      %reduce_sum3A_221 = vector.multi_reduction <add>, %mul3A_219, %reduce_sum3A_220 [1] : vector<128x64xf32> to vector<128xf32>
      %broadcast_in_dim3A_222 = vector.shape_cast %reduce_sum3A_221 : vector<128xf32> to vector<128x1xf32>
      %sub3A_223 = arith.constant 1.000000e+00 : f32
      %sub3A_224 = vector.broadcast %sub3A_223 : f32 to vector<128x1xf32>
      %sub3A_225 = arith.subf %broadcast_in_dim3A_222, %sub3A_224 : vector<128x1xf32>
      %convert_element_type3A_226 = arith.fptosi %sub3A_225 : vector<128x1xf32> to vector<128x1xi32>
      %swap3A_227 = arith.constant 768 : index
      %swap3A_228 = arith.constant 0 : index
      %swap3A_229 = vector.load %arg4[%swap3A_227, %swap3A_228] : memref<2048x1xi32, #tpu.memory_space<vmem>>, vector<128x1xi32>
      tpu.vector_store %arg4[%swap3A_227, %swap3A_228], %convert_element_type3A_226 {strides = array<i32>} : memref<2048x1xi32, #tpu.memory_space<vmem>>, vector<128x1xi32>,
      %slice3A_230 = vector.extract_strided_slice %get3A_26 {offsets = [896, 0], sizes = [128, 64], strides = [1, 1]} : vector<2048x64xf32> to vector<128x64xf32>
      %convert_element_type3A_231 = arith.truncf %slice3A_230 : vector<128x64xf32> to vector<128x64xbf16>
      %dot_general3A_232 = arith.constant dense<0.000000e+00> : vector<128x64xf32>
      %dot_general3A_233 = tpu.matmul %convert_element_type3A_90, %convert_element_type3A_231, %dot_general3A_232 {dimension_numbers = #tpu.dot_dimension_numbers<[1], [0], [0], [1], [0, 0, 1, 1], [], []>, transpose_lhs_hint = false} : vector<128x128xbf16>, vector<128x64xbf16>, vector<128x64xf32> -> vector<128x64xf32>
      %slice3A_234 = vector.extract_strided_slice %dot_general3A_66 {offsets = [7, 0], sizes = [1, 64], strides = [1, 1]} : vector<16x64xf32> to vector<1x64xf32>
      %add3A_235 = vector.broadcast %slice3A_234 : vector<1x64xf32> to vector<128x64xf32>
      %add3A_236 = arith.addf %dot_general3A_233, %add3A_235 : vector<128x64xf32>
      %add3A_237 = vector.broadcast %dot_general3A_75 : vector<1x64xf32> to vector<128x64xf32>
      %add3A_238 = arith.addf %add3A_236, %add3A_237 : vector<128x64xf32>
      %mul3A_239 = arith.mulf %slice3A_230, %add3A_238 : vector<128x64xf32>
      %reduce_sum3A_240 = arith.constant dense<0.000000e+00> : vector<128xf32>
      %reduce_sum3A_241 = vector.multi_reduction <add>, %mul3A_239, %reduce_sum3A_240 [1] : vector<128x64xf32> to vector<128xf32>
      %broadcast_in_dim3A_242 = vector.shape_cast %reduce_sum3A_241 : vector<128xf32> to vector<128x1xf32>
      %sub3A_243 = arith.constant 1.000000e+00 : f32
      %sub3A_244 = vector.broadcast %sub3A_243 : f32 to vector<128x1xf32>
      %sub3A_245 = arith.subf %broadcast_in_dim3A_242, %sub3A_244 : vector<128x1xf32>
      %convert_element_type3A_246 = arith.fptosi %sub3A_245 : vector<128x1xf32> to vector<128x1xi32>
      %swap3A_247 = arith.constant 896 : index
      %swap3A_248 = arith.constant 0 : index
      %swap3A_249 = vector.load %arg4[%swap3A_247, %swap3A_248] : memref<2048x1xi32, #tpu.memory_space<vmem>>, vector<128x1xi32>
      tpu.vector_store %arg4[%swap3A_247, %swap3A_248], %convert_element_type3A_246 {strides = array<i32>} : memref<2048x1xi32, #tpu.memory_space<vmem>>, vector<128x1xi32>,
      %slice3A_250 = vector.extract_strided_slice %get3A_26 {offsets = [1024, 0], sizes = [128, 64], strides = [1, 1]} : vector<2048x64xf32> to vector<128x64xf32>
      %convert_element_type3A_251 = arith.truncf %slice3A_250 : vector<128x64xf32> to vector<128x64xbf16>
      %dot_general3A_252 = arith.constant dense<0.000000e+00> : vector<128x64xf32>
      %dot_general3A_253 = tpu.matmul %convert_element_type3A_90, %convert_element_type3A_251, %dot_general3A_252 {dimension_numbers = #tpu.dot_dimension_numbers<[1], [0], [0], [1], [0, 0, 1, 1], [], []>, transpose_lhs_hint = false} : vector<128x128xbf16>, vector<128x64xbf16>, vector<128x64xf32> -> vector<128x64xf32>
      %slice3A_254 = vector.extract_strided_slice %dot_general3A_66 {offsets = [8, 0], sizes = [1, 64], strides = [1, 1]} : vector<16x64xf32> to vector<1x64xf32>
      %add3A_255 = vector.broadcast %slice3A_254 : vector<1x64xf32> to vector<128x64xf32>
      %add3A_256 = arith.addf %dot_general3A_253, %add3A_255 : vector<128x64xf32>
      %add3A_257 = vector.broadcast %dot_general3A_75 : vector<1x64xf32> to vector<128x64xf32>
      %add3A_258 = arith.addf %add3A_256, %add3A_257 : vector<128x64xf32>
      %mul3A_259 = arith.mulf %slice3A_250, %add3A_258 : vector<128x64xf32>
      %reduce_sum3A_260 = arith.constant dense<0.000000e+00> : vector<128xf32>
      %reduce_sum3A_261 = vector.multi_reduction <add>, %mul3A_259, %reduce_sum3A_260 [1] : vector<128x64xf32> to vector<128xf32>
      %broadcast_in_dim3A_262 = vector.shape_cast %reduce_sum3A_261 : vector<128xf32> to vector<128x1xf32>
      %sub3A_263 = arith.constant 1.000000e+00 : f32
      %sub3A_264 = vector.broadcast %sub3A_263 : f32 to vector<128x1xf32>
      %sub3A_265 = arith.subf %broadcast_in_dim3A_262, %sub3A_264 : vector<128x1xf32>
      %convert_element_type3A_266 = arith.fptosi %sub3A_265 : vector<128x1xf32> to vector<128x1xi32>
      %swap3A_267 = arith.constant 1024 : index
      %swap3A_268 = arith.constant 0 : index
      %swap3A_269 = vector.load %arg4[%swap3A_267, %swap3A_268] : memref<2048x1xi32, #tpu.memory_space<vmem>>, vector<128x1xi32>
      tpu.vector_store %arg4[%swap3A_267, %swap3A_268], %convert_element_type3A_266 {strides = array<i32>} : memref<2048x1xi32, #tpu.memory_space<vmem>>, vector<128x1xi32>,
      %slice3A_270 = vector.extract_strided_slice %get3A_26 {offsets = [1152, 0], sizes = [128, 64], strides = [1, 1]} : vector<2048x64xf32> to vector<128x64xf32>
      %convert_element_type3A_271 = arith.truncf %slice3A_270 : vector<128x64xf32> to vector<128x64xbf16>
      %dot_general3A_272 = arith.constant dense<0.000000e+00> : vector<128x64xf32>
      %dot_general3A_273 = tpu.matmul %convert_element_type3A_90, %convert_element_type3A_271, %dot_general3A_272 {dimension_numbers = #tpu.dot_dimension_numbers<[1], [0], [0], [1], [0, 0, 1, 1], [], []>, transpose_lhs_hint = false} : vector<128x128xbf16>, vector<128x64xbf16>, vector<128x64xf32> -> vector<128x64xf32>
      %slice3A_274 = vector.extract_strided_slice %dot_general3A_66 {offsets = [9, 0], sizes = [1, 64], strides = [1, 1]} : vector<16x64xf32> to vector<1x64xf32>
      %add3A_275 = vector.broadcast %slice3A_274 : vector<1x64xf32> to vector<128x64xf32>
      %add3A_276 = arith.addf %dot_general3A_273, %add3A_275 : vector<128x64xf32>
      %add3A_277 = vector.broadcast %dot_general3A_75 : vector<1x64xf32> to vector<128x64xf32>
      %add3A_278 = arith.addf %add3A_276, %add3A_277 : vector<128x64xf32>
      %mul3A_279 = arith.mulf %slice3A_270, %add3A_278 : vector<128x64xf32>
      %reduce_sum3A_280 = arith.constant dense<0.000000e+00> : vector<128xf32>
      %reduce_sum3A_281 = vector.multi_reduction <add>, %mul3A_279, %reduce_sum3A_280 [1] : vector<128x64xf32> to vector<128xf32>
      %broadcast_in_dim3A_282 = vector.shape_cast %reduce_sum3A_281 : vector<128xf32> to vector<128x1xf32>
      %sub3A_283 = arith.constant 1.000000e+00 : f32
      %sub3A_284 = vector.broadcast %sub3A_283 : f32 to vector<128x1xf32>
      %sub3A_285 = arith.subf %broadcast_in_dim3A_282, %sub3A_284 : vector<128x1xf32>
      %convert_element_type3A_286 = arith.fptosi %sub3A_285 : vector<128x1xf32> to vector<128x1xi32>
      %swap3A_287 = arith.constant 1152 : index
      %swap3A_288 = arith.constant 0 : index
      %swap3A_289 = vector.load %arg4[%swap3A_287, %swap3A_288] : memref<2048x1xi32, #tpu.memory_space<vmem>>, vector<128x1xi32>
      tpu.vector_store %arg4[%swap3A_287, %swap3A_288], %convert_element_type3A_286 {strides = array<i32>} : memref<2048x1xi32, #tpu.memory_space<vmem>>, vector<128x1xi32>,
      %slice3A_290 = vector.extract_strided_slice %get3A_26 {offsets = [1280, 0], sizes = [128, 64], strides = [1, 1]} : vector<2048x64xf32> to vector<128x64xf32>
      %convert_element_type3A_291 = arith.truncf %slice3A_290 : vector<128x64xf32> to vector<128x64xbf16>
      %dot_general3A_292 = arith.constant dense<0.000000e+00> : vector<128x64xf32>
      %dot_general3A_293 = tpu.matmul %convert_element_type3A_90, %convert_element_type3A_291, %dot_general3A_292 {dimension_numbers = #tpu.dot_dimension_numbers<[1], [0], [0], [1], [0, 0, 1, 1], [], []>, transpose_lhs_hint = false} : vector<128x128xbf16>, vector<128x64xbf16>, vector<128x64xf32> -> vector<128x64xf32>
      %slice3A_294 = vector.extract_strided_slice %dot_general3A_66 {offsets = [10, 0], sizes = [1, 64], strides = [1, 1]} : vector<16x64xf32> to vector<1x64xf32>
      %add3A_295 = vector.broadcast %slice3A_294 : vector<1x64xf32> to vector<128x64xf32>
      %add3A_296 = arith.addf %dot_general3A_293, %add3A_295 : vector<128x64xf32>
      %add3A_297 = vector.broadcast %dot_general3A_75 : vector<1x64xf32> to vector<128x64xf32>
      %add3A_298 = arith.addf %add3A_296, %add3A_297 : vector<128x64xf32>
      %mul3A_299 = arith.mulf %slice3A_290, %add3A_298 : vector<128x64xf32>
      %reduce_sum3A_300 = arith.constant dense<0.000000e+00> : vector<128xf32>
      %reduce_sum3A_301 = vector.multi_reduction <add>, %mul3A_299, %reduce_sum3A_300 [1] : vector<128x64xf32> to vector<128xf32>
      %broadcast_in_dim3A_302 = vector.shape_cast %reduce_sum3A_301 : vector<128xf32> to vector<128x1xf32>
      %sub3A_303 = arith.constant 1.000000e+00 : f32
      %sub3A_304 = vector.broadcast %sub3A_303 : f32 to vector<128x1xf32>
      %sub3A_305 = arith.subf %broadcast_in_dim3A_302, %sub3A_304 : vector<128x1xf32>
      %convert_element_type3A_306 = arith.fptosi %sub3A_305 : vector<128x1xf32> to vector<128x1xi32>
      %swap3A_307 = arith.constant 1280 : index
      %swap3A_308 = arith.constant 0 : index
      %swap3A_309 = vector.load %arg4[%swap3A_307, %swap3A_308] : memref<2048x1xi32, #tpu.memory_space<vmem>>, vector<128x1xi32>
      tpu.vector_store %arg4[%swap3A_307, %swap3A_308], %convert_element_type3A_306 {strides = array<i32>} : memref<2048x1xi32, #tpu.memory_space<vmem>>, vector<128x1xi32>,
      %slice3A_310 = vector.extract_strided_slice %get3A_26 {offsets = [1408, 0], sizes = [128, 64], strides = [1, 1]} : vector<2048x64xf32> to vector<128x64xf32>
      %convert_element_type3A_311 = arith.truncf %slice3A_310 : vector<128x64xf32> to vector<128x64xbf16>
      %dot_general3A_312 = arith.constant dense<0.000000e+00> : vector<128x64xf32>
      %dot_general3A_313 = tpu.matmul %convert_element_type3A_90, %convert_element_type3A_311, %dot_general3A_312 {dimension_numbers = #tpu.dot_dimension_numbers<[1], [0], [0], [1], [0, 0, 1, 1], [], []>, transpose_lhs_hint = false} : vector<128x128xbf16>, vector<128x64xbf16>, vector<128x64xf32> -> vector<128x64xf32>
      %slice3A_314 = vector.extract_strided_slice %dot_general3A_66 {offsets = [11, 0], sizes = [1, 64], strides = [1, 1]} : vector<16x64xf32> to vector<1x64xf32>
      %add3A_315 = vector.broadcast %slice3A_314 : vector<1x64xf32> to vector<128x64xf32>
      %add3A_316 = arith.addf %dot_general3A_313, %add3A_315 : vector<128x64xf32>
      %add3A_317 = vector.broadcast %dot_general3A_75 : vector<1x64xf32> to vector<128x64xf32>
      %add3A_318 = arith.addf %add3A_316, %add3A_317 : vector<128x64xf32>
      %mul3A_319 = arith.mulf %slice3A_310, %add3A_318 : vector<128x64xf32>
      %reduce_sum3A_320 = arith.constant dense<0.000000e+00> : vector<128xf32>
      %reduce_sum3A_321 = vector.multi_reduction <add>, %mul3A_319, %reduce_sum3A_320 [1] : vector<128x64xf32> to vector<128xf32>
      %broadcast_in_dim3A_322 = vector.shape_cast %reduce_sum3A_321 : vector<128xf32> to vector<128x1xf32>
      %sub3A_323 = arith.constant 1.000000e+00 : f32
      %sub3A_324 = vector.broadcast %sub3A_323 : f32 to vector<128x1xf32>
      %sub3A_325 = arith.subf %broadcast_in_dim3A_322, %sub3A_324 : vector<128x1xf32>
      %convert_element_type3A_326 = arith.fptosi %sub3A_325 : vector<128x1xf32> to vector<128x1xi32>
      %swap3A_327 = arith.constant 1408 : index
      %swap3A_328 = arith.constant 0 : index
      %swap3A_329 = vector.load %arg4[%swap3A_327, %swap3A_328] : memref<2048x1xi32, #tpu.memory_space<vmem>>, vector<128x1xi32>
      tpu.vector_store %arg4[%swap3A_327, %swap3A_328], %convert_element_type3A_326 {strides = array<i32>} : memref<2048x1xi32, #tpu.memory_space<vmem>>, vector<128x1xi32>,
      %slice3A_330 = vector.extract_strided_slice %get3A_26 {offsets = [1536, 0], sizes = [128, 64], strides = [1, 1]} : vector<2048x64xf32> to vector<128x64xf32>
      %convert_element_type3A_331 = arith.truncf %slice3A_330 : vector<128x64xf32> to vector<128x64xbf16>
      %dot_general3A_332 = arith.constant dense<0.000000e+00> : vector<128x64xf32>
      %dot_general3A_333 = tpu.matmul %convert_element_type3A_90, %convert_element_type3A_331, %dot_general3A_332 {dimension_numbers = #tpu.dot_dimension_numbers<[1], [0], [0], [1], [0, 0, 1, 1], [], []>, transpose_lhs_hint = false} : vector<128x128xbf16>, vector<128x64xbf16>, vector<128x64xf32> -> vector<128x64xf32>
      %slice3A_334 = vector.extract_strided_slice %dot_general3A_66 {offsets = [12, 0], sizes = [1, 64], strides = [1, 1]} : vector<16x64xf32> to vector<1x64xf32>
      %add3A_335 = vector.broadcast %slice3A_334 : vector<1x64xf32> to vector<128x64xf32>
      %add3A_336 = arith.addf %dot_general3A_333, %add3A_335 : vector<128x64xf32>
      %add3A_337 = vector.broadcast %dot_general3A_75 : vector<1x64xf32> to vector<128x64xf32>
      %add3A_338 = arith.addf %add3A_336, %add3A_337 : vector<128x64xf32>
      %mul3A_339 = arith.mulf %slice3A_330, %add3A_338 : vector<128x64xf32>
      %reduce_sum3A_340 = arith.constant dense<0.000000e+00> : vector<128xf32>
      %reduce_sum3A_341 = vector.multi_reduction <add>, %mul3A_339, %reduce_sum3A_340 [1] : vector<128x64xf32> to vector<128xf32>
      %broadcast_in_dim3A_342 = vector.shape_cast %reduce_sum3A_341 : vector<128xf32> to vector<128x1xf32>
      %sub3A_343 = arith.constant 1.000000e+00 : f32
      %sub3A_344 = vector.broadcast %sub3A_343 : f32 to vector<128x1xf32>
      %sub3A_345 = arith.subf %broadcast_in_dim3A_342, %sub3A_344 : vector<128x1xf32>
      %convert_element_type3A_346 = arith.fptosi %sub3A_345 : vector<128x1xf32> to vector<128x1xi32>
      %swap3A_347 = arith.constant 1536 : index
      %swap3A_348 = arith.constant 0 : index
      %swap3A_349 = vector.load %arg4[%swap3A_347, %swap3A_348] : memref<2048x1xi32, #tpu.memory_space<vmem>>, vector<128x1xi32>
      tpu.vector_store %arg4[%swap3A_347, %swap3A_348], %convert_element_type3A_346 {strides = array<i32>} : memref<2048x1xi32, #tpu.memory_space<vmem>>, vector<128x1xi32>,
      %slice3A_350 = vector.extract_strided_slice %get3A_26 {offsets = [1664, 0], sizes = [128, 64], strides = [1, 1]} : vector<2048x64xf32> to vector<128x64xf32>
      %convert_element_type3A_351 = arith.truncf %slice3A_350 : vector<128x64xf32> to vector<128x64xbf16>
      %dot_general3A_352 = arith.constant dense<0.000000e+00> : vector<128x64xf32>
      %dot_general3A_353 = tpu.matmul %convert_element_type3A_90, %convert_element_type3A_351, %dot_general3A_352 {dimension_numbers = #tpu.dot_dimension_numbers<[1], [0], [0], [1], [0, 0, 1, 1], [], []>, transpose_lhs_hint = false} : vector<128x128xbf16>, vector<128x64xbf16>, vector<128x64xf32> -> vector<128x64xf32>
      %slice3A_354 = vector.extract_strided_slice %dot_general3A_66 {offsets = [13, 0], sizes = [1, 64], strides = [1, 1]} : vector<16x64xf32> to vector<1x64xf32>
      %add3A_355 = vector.broadcast %slice3A_354 : vector<1x64xf32> to vector<128x64xf32>
      %add3A_356 = arith.addf %dot_general3A_353, %add3A_355 : vector<128x64xf32>
      %add3A_357 = vector.broadcast %dot_general3A_75 : vector<1x64xf32> to vector<128x64xf32>
      %add3A_358 = arith.addf %add3A_356, %add3A_357 : vector<128x64xf32>
      %mul3A_359 = arith.mulf %slice3A_350, %add3A_358 : vector<128x64xf32>
      %reduce_sum3A_360 = arith.constant dense<0.000000e+00> : vector<128xf32>
      %reduce_sum3A_361 = vector.multi_reduction <add>, %mul3A_359, %reduce_sum3A_360 [1] : vector<128x64xf32> to vector<128xf32>
      %broadcast_in_dim3A_362 = vector.shape_cast %reduce_sum3A_361 : vector<128xf32> to vector<128x1xf32>
      %sub3A_363 = arith.constant 1.000000e+00 : f32
      %sub3A_364 = vector.broadcast %sub3A_363 : f32 to vector<128x1xf32>
      %sub3A_365 = arith.subf %broadcast_in_dim3A_362, %sub3A_364 : vector<128x1xf32>
      %convert_element_type3A_366 = arith.fptosi %sub3A_365 : vector<128x1xf32> to vector<128x1xi32>
      %swap3A_367 = arith.constant 1664 : index
      %swap3A_368 = arith.constant 0 : index
      %swap3A_369 = vector.load %arg4[%swap3A_367, %swap3A_368] : memref<2048x1xi32, #tpu.memory_space<vmem>>, vector<128x1xi32>
      tpu.vector_store %arg4[%swap3A_367, %swap3A_368], %convert_element_type3A_366 {strides = array<i32>} : memref<2048x1xi32, #tpu.memory_space<vmem>>, vector<128x1xi32>,
      %slice3A_370 = vector.extract_strided_slice %get3A_26 {offsets = [1792, 0], sizes = [128, 64], strides = [1, 1]} : vector<2048x64xf32> to vector<128x64xf32>
      %convert_element_type3A_371 = arith.truncf %slice3A_370 : vector<128x64xf32> to vector<128x64xbf16>
      %dot_general3A_372 = arith.constant dense<0.000000e+00> : vector<128x64xf32>
      %dot_general3A_373 = tpu.matmul %convert_element_type3A_90, %convert_element_type3A_371, %dot_general3A_372 {dimension_numbers = #tpu.dot_dimension_numbers<[1], [0], [0], [1], [0, 0, 1, 1], [], []>, transpose_lhs_hint = false} : vector<128x128xbf16>, vector<128x64xbf16>, vector<128x64xf32> -> vector<128x64xf32>
      %slice3A_374 = vector.extract_strided_slice %dot_general3A_66 {offsets = [14, 0], sizes = [1, 64], strides = [1, 1]} : vector<16x64xf32> to vector<1x64xf32>
      %add3A_375 = vector.broadcast %slice3A_374 : vector<1x64xf32> to vector<128x64xf32>
      %add3A_376 = arith.addf %dot_general3A_373, %add3A_375 : vector<128x64xf32>
      %add3A_377 = vector.broadcast %dot_general3A_75 : vector<1x64xf32> to vector<128x64xf32>
      %add3A_378 = arith.addf %add3A_376, %add3A_377 : vector<128x64xf32>
      %mul3A_379 = arith.mulf %slice3A_370, %add3A_378 : vector<128x64xf32>
      %reduce_sum3A_380 = arith.constant dense<0.000000e+00> : vector<128xf32>
      %reduce_sum3A_381 = vector.multi_reduction <add>, %mul3A_379, %reduce_sum3A_380 [1] : vector<128x64xf32> to vector<128xf32>
      %broadcast_in_dim3A_382 = vector.shape_cast %reduce_sum3A_381 : vector<128xf32> to vector<128x1xf32>
      %sub3A_383 = arith.constant 1.000000e+00 : f32
      %sub3A_384 = vector.broadcast %sub3A_383 : f32 to vector<128x1xf32>
      %sub3A_385 = arith.subf %broadcast_in_dim3A_382, %sub3A_384 : vector<128x1xf32>
      %convert_element_type3A_386 = arith.fptosi %sub3A_385 : vector<128x1xf32> to vector<128x1xi32>
      %swap3A_387 = arith.constant 1792 : index
      %swap3A_388 = arith.constant 0 : index
      %swap3A_389 = vector.load %arg4[%swap3A_387, %swap3A_388] : memref<2048x1xi32, #tpu.memory_space<vmem>>, vector<128x1xi32>
      tpu.vector_store %arg4[%swap3A_387, %swap3A_388], %convert_element_type3A_386 {strides = array<i32>} : memref<2048x1xi32, #tpu.memory_space<vmem>>, vector<128x1xi32>,
      %slice3A_390 = vector.extract_strided_slice %get3A_26 {offsets = [1920, 0], sizes = [128, 64], strides = [1, 1]} : vector<2048x64xf32> to vector<128x64xf32>
      %convert_element_type3A_391 = arith.truncf %slice3A_390 : vector<128x64xf32> to vector<128x64xbf16>
      %dot_general3A_392 = arith.constant dense<0.000000e+00> : vector<128x64xf32>
      %dot_general3A_393 = tpu.matmul %convert_element_type3A_90, %convert_element_type3A_391, %dot_general3A_392 {dimension_numbers = #tpu.dot_dimension_numbers<[1], [0], [0], [1], [0, 0, 1, 1], [], []>, transpose_lhs_hint = false} : vector<128x128xbf16>, vector<128x64xbf16>, vector<128x64xf32> -> vector<128x64xf32>
      %slice3A_394 = vector.extract_strided_slice %dot_general3A_66 {offsets = [15, 0], sizes = [1, 64], strides = [1, 1]} : vector<16x64xf32> to vector<1x64xf32>
      %add3A_395 = vector.broadcast %slice3A_394 : vector<1x64xf32> to vector<128x64xf32>
      %add3A_396 = arith.addf %dot_general3A_393, %add3A_395 : vector<128x64xf32>
      %add3A_397 = vector.broadcast %dot_general3A_75 : vector<1x64xf32> to vector<128x64xf32>
      %add3A_398 = arith.addf %add3A_396, %add3A_397 : vector<128x64xf32>
      %mul3A_399 = arith.mulf %slice3A_390, %add3A_398 : vector<128x64xf32>
      %reduce_sum3A_400 = arith.constant dense<0.000000e+00> : vector<128xf32>
      %reduce_sum3A_401 = vector.multi_reduction <add>, %mul3A_399, %reduce_sum3A_400 [1] : vector<128x64xf32> to vector<128xf32>
      %broadcast_in_dim3A_402 = vector.shape_cast %reduce_sum3A_401 : vector<128xf32> to vector<128x1xf32>
      %sub3A_403 = arith.constant 1.000000e+00 : f32
      %sub3A_404 = vector.broadcast %sub3A_403 : f32 to vector<128x1xf32>
      %sub3A_405 = arith.subf %broadcast_in_dim3A_402, %sub3A_404 : vector<128x1xf32>
      %convert_element_type3A_406 = arith.fptosi %sub3A_405 : vector<128x1xf32> to vector<128x1xi32>
      %swap3A_407 = arith.constant 1920 : index
      %swap3A_408 = arith.constant 0 : index
      %swap3A_409 = vector.load %arg4[%swap3A_407, %swap3A_408] : memref<2048x1xi32, #tpu.memory_space<vmem>>, vector<128x1xi32>
      tpu.vector_store %arg4[%swap3A_407, %swap3A_408], %convert_element_type3A_406 {strides = array<i32>} : memref<2048x1xi32, #tpu.memory_space<vmem>>, vector<128x1xi32>,
    } else {
    }
    return
  }
  func.func @transform_0(%arg0: i32) -> (i32, i32) {
    %c0_i32 = arith.constant 0 : i32
    %c0_i32_0 = arith.constant 0 : i32
    return %arg0, %c0_i32 : i32, i32
  }
  func.func @transform_1(%arg0: i32) -> (i32, i32) {
    %c0_i32 = arith.constant 0 : i32
    %c0_i32_0 = arith.constant 0 : i32
    %c0_i32_1 = arith.constant 0 : i32
    return %c0_i32, %c0_i32_0 : i32, i32
  }
  func.func @transform_2(%arg0: i32) -> (i32, i32) {
    %c0_i32 = arith.constant 0 : i32
    %c0_i32_0 = arith.constant 0 : i32
    %c0_i32_1 = arith.constant 0 : i32
    return %c0_i32, %c0_i32_0 : i32, i32
  }
  func.func @transform_3(%arg0: i32) -> (i32, i32) {
    %c0_i32 = arith.constant 0 : i32
    %c0_i32_0 = arith.constant 0 : i32
    %c0_i32_1 = arith.constant 0 : i32
    return %c0_i32, %c0_i32_0 : i32, i32
  }
  func.func @transform_4(%arg0: i32) -> (i32, i32) {
    %c0_i32 = arith.constant 0 : i32
    %c0_i32_0 = arith.constant 0 : i32
    %c0_i32_1 = arith.constant 0 : i32
    return %c0_i32, %c0_i32_0 : i32, i32
  }
  func.func @transform_5(%arg0: i32) -> (i32, i32) {
    %c0_i32 = arith.constant 0 : i32
    %c0_i32_0 = arith.constant 0 : i32
    %c0_i32_1 = arith.constant 0 : i32
    return %c0_i32, %c0_i32_0 : i32, i32
  }
}

module attributes {stable_mosaic.version = 14 : i64} {
  func.func @_moe_body(%arg0: i32, %arg1: memref<64xi32, #tpu.memory_space<smem>>, %arg2: memref<64xi32, #tpu.memory_space<smem>>, %arg3: memref<2048x768xf32, #tpu.memory_space<vmem>>, %arg4: memref<4x768x768xf32, #tpu.memory_space<vmem>>, %arg5: memref<4x1x768xf32, #tpu.memory_space<vmem>>, %arg6: memref<2048x768xf32, #tpu.memory_space<vmem>>) attributes {dimension_semantics = [#tpu.dimension_semantics<arbitrary>], iteration_bounds = array<i64: 16>, scalar_prefetch = 2 : i64, scratch_operands = 0 : i64, tpu.core_type = #tpu.core_type<tc>, window_params = [{pipeline_mode = #tpu.pipeline_mode<synchronous>, transform_indices = @transform_0, window_bounds = array<i64: 2048, 768>}, {transform_indices = @transform_1, window_bounds = array<i64: 4, 768, 768>}, {transform_indices = @transform_2, window_bounds = array<i64: 4, 1, 768>}, {pipeline_mode = #tpu.pipeline_mode<synchronous>, transform_indices = @transform_3, window_bounds = array<i64: 2048, 768>}]} {
    %mul3A = arith.constant 4 : i32
    %mul3A_0 = arith.muli %arg0, %mul3A : i32
    %add3A = arith.constant 0 : i32
    %add3A_1 = arith.addi %mul3A_0, %add3A : i32
    %get3A = arith.index_cast %add3A_1 : i32 to index
    %get3A_2 = memref.load %arg1[%get3A] : memref<64xi32, #tpu.memory_space<smem>>
    %get3A_3 = arith.index_cast %add3A_1 : i32 to index
    %get3A_4 = memref.load %arg2[%get3A_3] : memref<64xi32, #tpu.memory_space<smem>>
    %get3A_5 = arith.constant 0 : index
    %get3A_6 = arith.constant 0 : index
    %get3A_7 = arith.constant 0 : index
    %get3A_8 = vector.load %arg4[%get3A_5, %get3A_6, %get3A_7] : memref<4x768x768xf32, #tpu.memory_space<vmem>>, vector<1x768x768xf32>
    %get3A_9 = vector.shape_cast %get3A_8 : vector<1x768x768xf32> to vector<768x768xf32>
    %get3A_10 = arith.constant 0 : index
    %get3A_11 = arith.constant 0 : index
    %get3A_12 = arith.constant 0 : index
    %get3A_13 = vector.load %arg5[%get3A_10, %get3A_11, %get3A_12] : memref<4x1x768xf32, #tpu.memory_space<vmem>>, vector<1x1x768xf32>
    %get3A_14 = vector.shape_cast %get3A_13 : vector<1x1x768xf32> to vector<1x768xf32>
    %jit3A = arith.constant 128 : i32
    %div3A = arith.divsi %get3A_2, %jit3A : i32
    %sign3A = arith.constant 0 : i32
    %sign3A_15 = arith.cmpi sgt, %get3A_2, %sign3A : i32
    %sign3A_16 = arith.extui %sign3A_15 : i1 to i32
    %sign3A_17 = arith.constant 0 : i32
    %sign3A_18 = arith.cmpi slt, %get3A_2, %sign3A_17 : i32
    %sign3A_19 = arith.extui %sign3A_18 : i1 to i32
    %sign3A_20 = arith.subi %sign3A_16, %sign3A_19 : i32
    %sign3A_21 = arith.constant 0 : i32
    %sign3A_22 = arith.cmpi sgt, %jit3A, %sign3A_21 : i32
    %sign3A_23 = arith.extui %sign3A_22 : i1 to i32
    %sign3A_24 = arith.constant 0 : i32
    %sign3A_25 = arith.cmpi slt, %jit3A, %sign3A_24 : i32
    %sign3A_26 = arith.extui %sign3A_25 : i1 to i32
    %sign3A_27 = arith.subi %sign3A_23, %sign3A_26 : i32
    %ne3A = arith.cmpi ne, %sign3A_20, %sign3A_27 : i32
    %rem3A = arith.remsi %get3A_2, %jit3A : i32
    %ne3A_28 = arith.constant 0 : i32
    %ne3A_29 = arith.cmpi ne, %rem3A, %ne3A_28 : i32
    %and3A = arith.andi %ne3A, %ne3A_29 : i1
    %sub3A = arith.constant 1 : i32
    %sub3A_30 = arith.subi %div3A, %sub3A : i32
    %select_n3A = arith.select %and3A, %sub3A_30, %div3A : i32
    %sub3A_31 = arith.constant 1 : i32
    %sub3A_32 = arith.subi %get3A_4, %sub3A_31 : i32
    %jit3A_33 = arith.constant 128 : i32
    %div3A_34 = arith.divsi %sub3A_32, %jit3A_33 : i32
    %sign3A_35 = arith.constant 0 : i32
    %sign3A_36 = arith.cmpi sgt, %sub3A_32, %sign3A_35 : i32
    %sign3A_37 = arith.extui %sign3A_36 : i1 to i32
    %sign3A_38 = arith.constant 0 : i32
    %sign3A_39 = arith.cmpi slt, %sub3A_32, %sign3A_38 : i32
    %sign3A_40 = arith.extui %sign3A_39 : i1 to i32
    %sign3A_41 = arith.subi %sign3A_37, %sign3A_40 : i32
    %sign3A_42 = arith.constant 0 : i32
    %sign3A_43 = arith.cmpi sgt, %jit3A_33, %sign3A_42 : i32
    %sign3A_44 = arith.extui %sign3A_43 : i1 to i32
    %sign3A_45 = arith.constant 0 : i32
    %sign3A_46 = arith.cmpi slt, %jit3A_33, %sign3A_45 : i32
    %sign3A_47 = arith.extui %sign3A_46 : i1 to i32
    %sign3A_48 = arith.subi %sign3A_44, %sign3A_47 : i32
    %ne3A_49 = arith.cmpi ne, %sign3A_41, %sign3A_48 : i32
    %rem3A_50 = arith.remsi %sub3A_32, %jit3A_33 : i32
    %ne3A_51 = arith.constant 0 : i32
    %ne3A_52 = arith.cmpi ne, %rem3A_50, %ne3A_51 : i32
    %and3A_53 = arith.andi %ne3A_49, %ne3A_52 : i1
    %sub3A_54 = arith.constant 1 : i32
    %sub3A_55 = arith.subi %div3A_34, %sub3A_54 : i32
    %select_n3A_56 = arith.select %and3A_53, %sub3A_55, %div3A_34 : i32
    %add3A_57 = arith.constant 1 : i32
    %add3A_58 = arith.addi %select_n3A_56, %add3A_57 : i32
    %while3A = arith.constant 0 : i32
    %while3A_59 = arith.subi %add3A_58, %select_n3A : i32
    %while3A_60 = arith.addi %select_n3A, %while3A_59 : i32
    %while3A_61 = arith.constant 1 : i32
    %while3A_62 = arith.divsi %while3A_59, %while3A_61 : i32
    %while3A_63 = arith.muli %while3A_62, %while3A_61 : i32
    %while3A_64 = arith.addi %select_n3A, %while3A_63 : i32
    %while3A_65 = arith.constant 1 : i32
    %while3A_66 = scf.for %while3A_312 = %select_n3A to %while3A_64 step %while3A_65 iter_args(%while3A_313 = %while3A) -> (i32)  : i32 {
      %mul3A_314 = arith.constant 128 : i32
      %mul3A_315 = arith.muli %while3A_312, %mul3A_314 : i32
      %get3A_316 = arith.index_cast %mul3A_315 : i32 to index
      %get3A_317 = arith.constant 0 : index
      %get3A_318 = vector.load %arg3[%get3A_316, %get3A_317] : memref<2048x768xf32, #tpu.memory_space<vmem>>, vector<128x768xf32>
      %dot_general3A = arith.constant dense<0.000000e+00> : vector<128x768xf32>
      %dot_general3A_319 = tpu.matmul %get3A_318, %get3A_9, %dot_general3A {dimension_numbers = #tpu.dot_dimension_numbers<[1], [0], [0], [1], [0, 0, 1, 1], [], []>, transpose_lhs_hint = false} : vector<128x768xf32>, vector<768x768xf32>, vector<128x768xf32> -> vector<128x768xf32>
      %add3A_320 = vector.broadcast %get3A_14 : vector<1x768xf32> to vector<128x768xf32>
      %add3A_321 = arith.addf %dot_general3A_319, %add3A_320 : vector<128x768xf32>
      %iota3A = tpu.iota {dimensions = array<i32: 0>} : vector<128x1xi32>
      %add3A_322 = vector.broadcast %mul3A_315 : i32 to vector<128x1xi32>
      %add3A_323 = arith.addi %add3A_322, %iota3A : vector<128x1xi32>
      %ge3A = vector.broadcast %get3A_2 : i32 to vector<128x1xi32>
      %ge3A_324 = arith.cmpi sge, %add3A_323, %ge3A : vector<128x1xi32>
      %lt3A = vector.broadcast %get3A_4 : i32 to vector<128x1xi32>
      %lt3A_325 = arith.cmpi slt, %add3A_323, %lt3A : vector<128x1xi32>
      %and3A_326 = arith.andi %ge3A_324, %lt3A_325 : vector<128x1xi1>
      %jit3A_327 = arith.constant 0.000000e+00 : f32
      %broadcast_in_dim3A = vector.shape_cast %and3A_326 : vector<128x1xi1> to vector<128x1xi1>
      %broadcast_in_dim3A_328 = vector.broadcast %broadcast_in_dim3A : vector<128x1xi1> to vector<128x768xi1>
      %broadcast_in_dim3A_329 = vector.broadcast %jit3A_327 : f32 to vector<128x768xf32>
      %select_n3A_330 = arith.select %broadcast_in_dim3A_328, %add3A_321, %broadcast_in_dim3A_329 : vector<128x768xi1>, vector<128x768xf32>
      %le3A = arith.cmpi sle, %get3A_2, %mul3A_315 : i32
      %convert_element_type3A = arith.extui %le3A : i1 to i32
      %cond3A = arith.constant 0 : i32
      %cond3A_331 = arith.cmpi ne, %convert_element_type3A, %cond3A : i32
      scf.if %cond3A_331 {
        %swap3A = arith.index_cast %mul3A_315 : i32 to index
        %swap3A_336 = arith.constant 0 : index
        %swap3A_337 = vector.load %arg6[%swap3A, %swap3A_336] : memref<2048x768xf32, #tpu.memory_space<vmem>>, vector<128x768xf32>
        tpu.vector_store %arg6[%swap3A, %swap3A_336], %select_n3A_330 {strides = array<i32>} : memref<2048x768xf32, #tpu.memory_space<vmem>>, vector<128x768xf32>,
      } else {
      }
      %gt3A = arith.cmpi sgt, %get3A_2, %mul3A_315 : i32
      %convert_element_type3A_332 = arith.extui %gt3A : i1 to i32
      %cond3A_333 = arith.constant 0 : i32
      %cond3A_334 = arith.cmpi ne, %convert_element_type3A_332, %cond3A_333 : i32
      scf.if %cond3A_334 {
        %get3A_336 = arith.index_cast %mul3A_315 : i32 to index
        %get3A_337 = arith.constant 0 : index
        %get3A_338 = vector.load %arg6[%get3A_336, %get3A_337] : memref<2048x768xf32, #tpu.memory_space<vmem>>, vector<128x768xf32>
        %add3A_339 = arith.addf %get3A_338, %select_n3A_330 : vector<128x768xf32>
        %swap3A = arith.index_cast %mul3A_315 : i32 to index
        %swap3A_340 = arith.constant 0 : index
        %swap3A_341 = vector.load %arg6[%swap3A, %swap3A_340] : memref<2048x768xf32, #tpu.memory_space<vmem>>, vector<128x768xf32>
        tpu.vector_store %arg6[%swap3A, %swap3A_340], %add3A_339 {strides = array<i32>} : memref<2048x768xf32, #tpu.memory_space<vmem>>, vector<128x768xf32>,
      } else {
      }
      %while3A_335 = arith.constant 0 : i32
      scf.yield %while3A_335 : i32
    }
    %while3A_67 = arith.constant 1 : i32
    %while3A_68 = scf.for %while3A_312 = %while3A_64 to %while3A_60 step %while3A_67 iter_args(%while3A_313 = %while3A_66) -> (i32)  : i32 {
      %mul3A_314 = arith.constant 128 : i32
      %mul3A_315 = arith.muli %while3A_312, %mul3A_314 : i32
      %get3A_316 = arith.index_cast %mul3A_315 : i32 to index
      %get3A_317 = arith.constant 0 : index
      %get3A_318 = vector.load %arg3[%get3A_316, %get3A_317] : memref<2048x768xf32, #tpu.memory_space<vmem>>, vector<128x768xf32>
      %dot_general3A = arith.constant dense<0.000000e+00> : vector<128x768xf32>
      %dot_general3A_319 = tpu.matmul %get3A_318, %get3A_9, %dot_general3A {dimension_numbers = #tpu.dot_dimension_numbers<[1], [0], [0], [1], [0, 0, 1, 1], [], []>, transpose_lhs_hint = false} : vector<128x768xf32>, vector<768x768xf32>, vector<128x768xf32> -> vector<128x768xf32>
      %add3A_320 = vector.broadcast %get3A_14 : vector<1x768xf32> to vector<128x768xf32>
      %add3A_321 = arith.addf %dot_general3A_319, %add3A_320 : vector<128x768xf32>
      %iota3A = tpu.iota {dimensions = array<i32: 0>} : vector<128x1xi32>
      %add3A_322 = vector.broadcast %mul3A_315 : i32 to vector<128x1xi32>
      %add3A_323 = arith.addi %add3A_322, %iota3A : vector<128x1xi32>
      %ge3A = vector.broadcast %get3A_2 : i32 to vector<128x1xi32>
      %ge3A_324 = arith.cmpi sge, %add3A_323, %ge3A : vector<128x1xi32>
      %lt3A = vector.broadcast %get3A_4 : i32 to vector<128x1xi32>
      %lt3A_325 = arith.cmpi slt, %add3A_323, %lt3A : vector<128x1xi32>
      %and3A_326 = arith.andi %ge3A_324, %lt3A_325 : vector<128x1xi1>
      %jit3A_327 = arith.constant 0.000000e+00 : f32
      %broadcast_in_dim3A = vector.shape_cast %and3A_326 : vector<128x1xi1> to vector<128x1xi1>
      %broadcast_in_dim3A_328 = vector.broadcast %broadcast_in_dim3A : vector<128x1xi1> to vector<128x768xi1>
      %broadcast_in_dim3A_329 = vector.broadcast %jit3A_327 : f32 to vector<128x768xf32>
      %select_n3A_330 = arith.select %broadcast_in_dim3A_328, %add3A_321, %broadcast_in_dim3A_329 : vector<128x768xi1>, vector<128x768xf32>
      %le3A = arith.cmpi sle, %get3A_2, %mul3A_315 : i32
      %convert_element_type3A = arith.extui %le3A : i1 to i32
      %cond3A = arith.constant 0 : i32
      %cond3A_331 = arith.cmpi ne, %convert_element_type3A, %cond3A : i32
      scf.if %cond3A_331 {
        %swap3A = arith.index_cast %mul3A_315 : i32 to index
        %swap3A_336 = arith.constant 0 : index
        %swap3A_337 = vector.load %arg6[%swap3A, %swap3A_336] : memref<2048x768xf32, #tpu.memory_space<vmem>>, vector<128x768xf32>
        tpu.vector_store %arg6[%swap3A, %swap3A_336], %select_n3A_330 {strides = array<i32>} : memref<2048x768xf32, #tpu.memory_space<vmem>>, vector<128x768xf32>,
      } else {
      }
      %gt3A = arith.cmpi sgt, %get3A_2, %mul3A_315 : i32
      %convert_element_type3A_332 = arith.extui %gt3A : i1 to i32
      %cond3A_333 = arith.constant 0 : i32
      %cond3A_334 = arith.cmpi ne, %convert_element_type3A_332, %cond3A_333 : i32
      scf.if %cond3A_334 {
        %get3A_336 = arith.index_cast %mul3A_315 : i32 to index
        %get3A_337 = arith.constant 0 : index
        %get3A_338 = vector.load %arg6[%get3A_336, %get3A_337] : memref<2048x768xf32, #tpu.memory_space<vmem>>, vector<128x768xf32>
        %add3A_339 = arith.addf %get3A_338, %select_n3A_330 : vector<128x768xf32>
        %swap3A = arith.index_cast %mul3A_315 : i32 to index
        %swap3A_340 = arith.constant 0 : index
        %swap3A_341 = vector.load %arg6[%swap3A, %swap3A_340] : memref<2048x768xf32, #tpu.memory_space<vmem>>, vector<128x768xf32>
        tpu.vector_store %arg6[%swap3A, %swap3A_340], %add3A_339 {strides = array<i32>} : memref<2048x768xf32, #tpu.memory_space<vmem>>, vector<128x768xf32>,
      } else {
      }
      %while3A_335 = arith.constant 0 : i32
      scf.yield %while3A_335 : i32
    }
    %mul3A_69 = arith.constant 4 : i32
    %mul3A_70 = arith.muli %arg0, %mul3A_69 : i32
    %add3A_71 = arith.constant 1 : i32
    %add3A_72 = arith.addi %mul3A_70, %add3A_71 : i32
    %get3A_73 = arith.index_cast %add3A_72 : i32 to index
    %get3A_74 = memref.load %arg1[%get3A_73] : memref<64xi32, #tpu.memory_space<smem>>
    %get3A_75 = arith.index_cast %add3A_72 : i32 to index
    %get3A_76 = memref.load %arg2[%get3A_75] : memref<64xi32, #tpu.memory_space<smem>>
    %get3A_77 = arith.constant 1 : index
    %get3A_78 = arith.constant 0 : index
    %get3A_79 = arith.constant 0 : index
    %get3A_80 = vector.load %arg4[%get3A_77, %get3A_78, %get3A_79] : memref<4x768x768xf32, #tpu.memory_space<vmem>>, vector<1x768x768xf32>
    %get3A_81 = vector.shape_cast %get3A_80 : vector<1x768x768xf32> to vector<768x768xf32>
    %get3A_82 = arith.constant 1 : index
    %get3A_83 = arith.constant 0 : index
    %get3A_84 = arith.constant 0 : index
    %get3A_85 = vector.load %arg5[%get3A_82, %get3A_83, %get3A_84] : memref<4x1x768xf32, #tpu.memory_space<vmem>>, vector<1x1x768xf32>
    %get3A_86 = vector.shape_cast %get3A_85 : vector<1x1x768xf32> to vector<1x768xf32>
    %jit3A_87 = arith.constant 128 : i32
    %div3A_88 = arith.divsi %get3A_74, %jit3A_87 : i32
    %sign3A_89 = arith.constant 0 : i32
    %sign3A_90 = arith.cmpi sgt, %get3A_74, %sign3A_89 : i32
    %sign3A_91 = arith.extui %sign3A_90 : i1 to i32
    %sign3A_92 = arith.constant 0 : i32
    %sign3A_93 = arith.cmpi slt, %get3A_74, %sign3A_92 : i32
    %sign3A_94 = arith.extui %sign3A_93 : i1 to i32
    %sign3A_95 = arith.subi %sign3A_91, %sign3A_94 : i32
    %sign3A_96 = arith.constant 0 : i32
    %sign3A_97 = arith.cmpi sgt, %jit3A_87, %sign3A_96 : i32
    %sign3A_98 = arith.extui %sign3A_97 : i1 to i32
    %sign3A_99 = arith.constant 0 : i32
    %sign3A_100 = arith.cmpi slt, %jit3A_87, %sign3A_99 : i32
    %sign3A_101 = arith.extui %sign3A_100 : i1 to i32
    %sign3A_102 = arith.subi %sign3A_98, %sign3A_101 : i32
    %ne3A_103 = arith.cmpi ne, %sign3A_95, %sign3A_102 : i32
    %rem3A_104 = arith.remsi %get3A_74, %jit3A_87 : i32
    %ne3A_105 = arith.constant 0 : i32
    %ne3A_106 = arith.cmpi ne, %rem3A_104, %ne3A_105 : i32
    %and3A_107 = arith.andi %ne3A_103, %ne3A_106 : i1
    %sub3A_108 = arith.constant 1 : i32
    %sub3A_109 = arith.subi %div3A_88, %sub3A_108 : i32
    %select_n3A_110 = arith.select %and3A_107, %sub3A_109, %div3A_88 : i32
    %sub3A_111 = arith.constant 1 : i32
    %sub3A_112 = arith.subi %get3A_76, %sub3A_111 : i32
    %jit3A_113 = arith.constant 128 : i32
    %div3A_114 = arith.divsi %sub3A_112, %jit3A_113 : i32
    %sign3A_115 = arith.constant 0 : i32
    %sign3A_116 = arith.cmpi sgt, %sub3A_112, %sign3A_115 : i32
    %sign3A_117 = arith.extui %sign3A_116 : i1 to i32
    %sign3A_118 = arith.constant 0 : i32
    %sign3A_119 = arith.cmpi slt, %sub3A_112, %sign3A_118 : i32
    %sign3A_120 = arith.extui %sign3A_119 : i1 to i32
    %sign3A_121 = arith.subi %sign3A_117, %sign3A_120 : i32
    %sign3A_122 = arith.constant 0 : i32
    %sign3A_123 = arith.cmpi sgt, %jit3A_113, %sign3A_122 : i32
    %sign3A_124 = arith.extui %sign3A_123 : i1 to i32
    %sign3A_125 = arith.constant 0 : i32
    %sign3A_126 = arith.cmpi slt, %jit3A_113, %sign3A_125 : i32
    %sign3A_127 = arith.extui %sign3A_126 : i1 to i32
    %sign3A_128 = arith.subi %sign3A_124, %sign3A_127 : i32
    %ne3A_129 = arith.cmpi ne, %sign3A_121, %sign3A_128 : i32
    %rem3A_130 = arith.remsi %sub3A_112, %jit3A_113 : i32
    %ne3A_131 = arith.constant 0 : i32
    %ne3A_132 = arith.cmpi ne, %rem3A_130, %ne3A_131 : i32
    %and3A_133 = arith.andi %ne3A_129, %ne3A_132 : i1
    %sub3A_134 = arith.constant 1 : i32
    %sub3A_135 = arith.subi %div3A_114, %sub3A_134 : i32
    %select_n3A_136 = arith.select %and3A_133, %sub3A_135, %div3A_114 : i32
    %add3A_137 = arith.constant 1 : i32
    %add3A_138 = arith.addi %select_n3A_136, %add3A_137 : i32
    %while3A_139 = arith.constant 0 : i32
    %while3A_140 = arith.subi %add3A_138, %select_n3A_110 : i32
    %while3A_141 = arith.addi %select_n3A_110, %while3A_140 : i32
    %while3A_142 = arith.constant 1 : i32
    %while3A_143 = arith.divsi %while3A_140, %while3A_142 : i32
    %while3A_144 = arith.muli %while3A_143, %while3A_142 : i32
    %while3A_145 = arith.addi %select_n3A_110, %while3A_144 : i32
    %while3A_146 = arith.constant 1 : i32
    %while3A_147 = scf.for %while3A_312 = %select_n3A_110 to %while3A_145 step %while3A_146 iter_args(%while3A_313 = %while3A_139) -> (i32)  : i32 {
      %mul3A_314 = arith.constant 128 : i32
      %mul3A_315 = arith.muli %while3A_312, %mul3A_314 : i32
      %get3A_316 = arith.index_cast %mul3A_315 : i32 to index
      %get3A_317 = arith.constant 0 : index
      %get3A_318 = vector.load %arg3[%get3A_316, %get3A_317] : memref<2048x768xf32, #tpu.memory_space<vmem>>, vector<128x768xf32>
      %dot_general3A = arith.constant dense<0.000000e+00> : vector<128x768xf32>
      %dot_general3A_319 = tpu.matmul %get3A_318, %get3A_81, %dot_general3A {dimension_numbers = #tpu.dot_dimension_numbers<[1], [0], [0], [1], [0, 0, 1, 1], [], []>, transpose_lhs_hint = false} : vector<128x768xf32>, vector<768x768xf32>, vector<128x768xf32> -> vector<128x768xf32>
      %add3A_320 = vector.broadcast %get3A_86 : vector<1x768xf32> to vector<128x768xf32>
      %add3A_321 = arith.addf %dot_general3A_319, %add3A_320 : vector<128x768xf32>
      %iota3A = tpu.iota {dimensions = array<i32: 0>} : vector<128x1xi32>
      %add3A_322 = vector.broadcast %mul3A_315 : i32 to vector<128x1xi32>
      %add3A_323 = arith.addi %add3A_322, %iota3A : vector<128x1xi32>
      %ge3A = vector.broadcast %get3A_74 : i32 to vector<128x1xi32>
      %ge3A_324 = arith.cmpi sge, %add3A_323, %ge3A : vector<128x1xi32>
      %lt3A = vector.broadcast %get3A_76 : i32 to vector<128x1xi32>
      %lt3A_325 = arith.cmpi slt, %add3A_323, %lt3A : vector<128x1xi32>
      %and3A_326 = arith.andi %ge3A_324, %lt3A_325 : vector<128x1xi1>
      %jit3A_327 = arith.constant 0.000000e+00 : f32
      %broadcast_in_dim3A = vector.shape_cast %and3A_326 : vector<128x1xi1> to vector<128x1xi1>
      %broadcast_in_dim3A_328 = vector.broadcast %broadcast_in_dim3A : vector<128x1xi1> to vector<128x768xi1>
      %broadcast_in_dim3A_329 = vector.broadcast %jit3A_327 : f32 to vector<128x768xf32>
      %select_n3A_330 = arith.select %broadcast_in_dim3A_328, %add3A_321, %broadcast_in_dim3A_329 : vector<128x768xi1>, vector<128x768xf32>
      %le3A = arith.cmpi sle, %get3A_74, %mul3A_315 : i32
      %convert_element_type3A = arith.extui %le3A : i1 to i32
      %cond3A = arith.constant 0 : i32
      %cond3A_331 = arith.cmpi ne, %convert_element_type3A, %cond3A : i32
      scf.if %cond3A_331 {
        %swap3A = arith.index_cast %mul3A_315 : i32 to index
        %swap3A_336 = arith.constant 0 : index
        %swap3A_337 = vector.load %arg6[%swap3A, %swap3A_336] : memref<2048x768xf32, #tpu.memory_space<vmem>>, vector<128x768xf32>
        tpu.vector_store %arg6[%swap3A, %swap3A_336], %select_n3A_330 {strides = array<i32>} : memref<2048x768xf32, #tpu.memory_space<vmem>>, vector<128x768xf32>,
      } else {
      }
      %gt3A = arith.cmpi sgt, %get3A_74, %mul3A_315 : i32
      %convert_element_type3A_332 = arith.extui %gt3A : i1 to i32
      %cond3A_333 = arith.constant 0 : i32
      %cond3A_334 = arith.cmpi ne, %convert_element_type3A_332, %cond3A_333 : i32
      scf.if %cond3A_334 {
        %get3A_336 = arith.index_cast %mul3A_315 : i32 to index
        %get3A_337 = arith.constant 0 : index
        %get3A_338 = vector.load %arg6[%get3A_336, %get3A_337] : memref<2048x768xf32, #tpu.memory_space<vmem>>, vector<128x768xf32>
        %add3A_339 = arith.addf %get3A_338, %select_n3A_330 : vector<128x768xf32>
        %swap3A = arith.index_cast %mul3A_315 : i32 to index
        %swap3A_340 = arith.constant 0 : index
        %swap3A_341 = vector.load %arg6[%swap3A, %swap3A_340] : memref<2048x768xf32, #tpu.memory_space<vmem>>, vector<128x768xf32>
        tpu.vector_store %arg6[%swap3A, %swap3A_340], %add3A_339 {strides = array<i32>} : memref<2048x768xf32, #tpu.memory_space<vmem>>, vector<128x768xf32>,
      } else {
      }
      %while3A_335 = arith.constant 0 : i32
      scf.yield %while3A_335 : i32
    }
    %while3A_148 = arith.constant 1 : i32
    %while3A_149 = scf.for %while3A_312 = %while3A_145 to %while3A_141 step %while3A_148 iter_args(%while3A_313 = %while3A_147) -> (i32)  : i32 {
      %mul3A_314 = arith.constant 128 : i32
      %mul3A_315 = arith.muli %while3A_312, %mul3A_314 : i32
      %get3A_316 = arith.index_cast %mul3A_315 : i32 to index
      %get3A_317 = arith.constant 0 : index
      %get3A_318 = vector.load %arg3[%get3A_316, %get3A_317] : memref<2048x768xf32, #tpu.memory_space<vmem>>, vector<128x768xf32>
      %dot_general3A = arith.constant dense<0.000000e+00> : vector<128x768xf32>
      %dot_general3A_319 = tpu.matmul %get3A_318, %get3A_81, %dot_general3A {dimension_numbers = #tpu.dot_dimension_numbers<[1], [0], [0], [1], [0, 0, 1, 1], [], []>, transpose_lhs_hint = false} : vector<128x768xf32>, vector<768x768xf32>, vector<128x768xf32> -> vector<128x768xf32>
      %add3A_320 = vector.broadcast %get3A_86 : vector<1x768xf32> to vector<128x768xf32>
      %add3A_321 = arith.addf %dot_general3A_319, %add3A_320 : vector<128x768xf32>
      %iota3A = tpu.iota {dimensions = array<i32: 0>} : vector<128x1xi32>
      %add3A_322 = vector.broadcast %mul3A_315 : i32 to vector<128x1xi32>
      %add3A_323 = arith.addi %add3A_322, %iota3A : vector<128x1xi32>
      %ge3A = vector.broadcast %get3A_74 : i32 to vector<128x1xi32>
      %ge3A_324 = arith.cmpi sge, %add3A_323, %ge3A : vector<128x1xi32>
      %lt3A = vector.broadcast %get3A_76 : i32 to vector<128x1xi32>
      %lt3A_325 = arith.cmpi slt, %add3A_323, %lt3A : vector<128x1xi32>
      %and3A_326 = arith.andi %ge3A_324, %lt3A_325 : vector<128x1xi1>
      %jit3A_327 = arith.constant 0.000000e+00 : f32
      %broadcast_in_dim3A = vector.shape_cast %and3A_326 : vector<128x1xi1> to vector<128x1xi1>
      %broadcast_in_dim3A_328 = vector.broadcast %broadcast_in_dim3A : vector<128x1xi1> to vector<128x768xi1>
      %broadcast_in_dim3A_329 = vector.broadcast %jit3A_327 : f32 to vector<128x768xf32>
      %select_n3A_330 = arith.select %broadcast_in_dim3A_328, %add3A_321, %broadcast_in_dim3A_329 : vector<128x768xi1>, vector<128x768xf32>
      %le3A = arith.cmpi sle, %get3A_74, %mul3A_315 : i32
      %convert_element_type3A = arith.extui %le3A : i1 to i32
      %cond3A = arith.constant 0 : i32
      %cond3A_331 = arith.cmpi ne, %convert_element_type3A, %cond3A : i32
      scf.if %cond3A_331 {
        %swap3A = arith.index_cast %mul3A_315 : i32 to index
        %swap3A_336 = arith.constant 0 : index
        %swap3A_337 = vector.load %arg6[%swap3A, %swap3A_336] : memref<2048x768xf32, #tpu.memory_space<vmem>>, vector<128x768xf32>
        tpu.vector_store %arg6[%swap3A, %swap3A_336], %select_n3A_330 {strides = array<i32>} : memref<2048x768xf32, #tpu.memory_space<vmem>>, vector<128x768xf32>,
      } else {
      }
      %gt3A = arith.cmpi sgt, %get3A_74, %mul3A_315 : i32
      %convert_element_type3A_332 = arith.extui %gt3A : i1 to i32
      %cond3A_333 = arith.constant 0 : i32
      %cond3A_334 = arith.cmpi ne, %convert_element_type3A_332, %cond3A_333 : i32
      scf.if %cond3A_334 {
        %get3A_336 = arith.index_cast %mul3A_315 : i32 to index
        %get3A_337 = arith.constant 0 : index
        %get3A_338 = vector.load %arg6[%get3A_336, %get3A_337] : memref<2048x768xf32, #tpu.memory_space<vmem>>, vector<128x768xf32>
        %add3A_339 = arith.addf %get3A_338, %select_n3A_330 : vector<128x768xf32>
        %swap3A = arith.index_cast %mul3A_315 : i32 to index
        %swap3A_340 = arith.constant 0 : index
        %swap3A_341 = vector.load %arg6[%swap3A, %swap3A_340] : memref<2048x768xf32, #tpu.memory_space<vmem>>, vector<128x768xf32>
        tpu.vector_store %arg6[%swap3A, %swap3A_340], %add3A_339 {strides = array<i32>} : memref<2048x768xf32, #tpu.memory_space<vmem>>, vector<128x768xf32>,
      } else {
      }
      %while3A_335 = arith.constant 0 : i32
      scf.yield %while3A_335 : i32
    }
    %mul3A_150 = arith.constant 4 : i32
    %mul3A_151 = arith.muli %arg0, %mul3A_150 : i32
    %add3A_152 = arith.constant 2 : i32
    %add3A_153 = arith.addi %mul3A_151, %add3A_152 : i32
    %get3A_154 = arith.index_cast %add3A_153 : i32 to index
    %get3A_155 = memref.load %arg1[%get3A_154] : memref<64xi32, #tpu.memory_space<smem>>
    %get3A_156 = arith.index_cast %add3A_153 : i32 to index
    %get3A_157 = memref.load %arg2[%get3A_156] : memref<64xi32, #tpu.memory_space<smem>>
    %get3A_158 = arith.constant 2 : index
    %get3A_159 = arith.constant 0 : index
    %get3A_160 = arith.constant 0 : index
    %get3A_161 = vector.load %arg4[%get3A_158, %get3A_159, %get3A_160] : memref<4x768x768xf32, #tpu.memory_space<vmem>>, vector<1x768x768xf32>
    %get3A_162 = vector.shape_cast %get3A_161 : vector<1x768x768xf32> to vector<768x768xf32>
    %get3A_163 = arith.constant 2 : index
    %get3A_164 = arith.constant 0 : index
    %get3A_165 = arith.constant 0 : index
    %get3A_166 = vector.load %arg5[%get3A_163, %get3A_164, %get3A_165] : memref<4x1x768xf32, #tpu.memory_space<vmem>>, vector<1x1x768xf32>
    %get3A_167 = vector.shape_cast %get3A_166 : vector<1x1x768xf32> to vector<1x768xf32>
    %jit3A_168 = arith.constant 128 : i32
    %div3A_169 = arith.divsi %get3A_155, %jit3A_168 : i32
    %sign3A_170 = arith.constant 0 : i32
    %sign3A_171 = arith.cmpi sgt, %get3A_155, %sign3A_170 : i32
    %sign3A_172 = arith.extui %sign3A_171 : i1 to i32
    %sign3A_173 = arith.constant 0 : i32
    %sign3A_174 = arith.cmpi slt, %get3A_155, %sign3A_173 : i32
    %sign3A_175 = arith.extui %sign3A_174 : i1 to i32
    %sign3A_176 = arith.subi %sign3A_172, %sign3A_175 : i32
    %sign3A_177 = arith.constant 0 : i32
    %sign3A_178 = arith.cmpi sgt, %jit3A_168, %sign3A_177 : i32
    %sign3A_179 = arith.extui %sign3A_178 : i1 to i32
    %sign3A_180 = arith.constant 0 : i32
    %sign3A_181 = arith.cmpi slt, %jit3A_168, %sign3A_180 : i32
    %sign3A_182 = arith.extui %sign3A_181 : i1 to i32
    %sign3A_183 = arith.subi %sign3A_179, %sign3A_182 : i32
    %ne3A_184 = arith.cmpi ne, %sign3A_176, %sign3A_183 : i32
    %rem3A_185 = arith.remsi %get3A_155, %jit3A_168 : i32
    %ne3A_186 = arith.constant 0 : i32
    %ne3A_187 = arith.cmpi ne, %rem3A_185, %ne3A_186 : i32
    %and3A_188 = arith.andi %ne3A_184, %ne3A_187 : i1
    %sub3A_189 = arith.constant 1 : i32
    %sub3A_190 = arith.subi %div3A_169, %sub3A_189 : i32
    %select_n3A_191 = arith.select %and3A_188, %sub3A_190, %div3A_169 : i32
    %sub3A_192 = arith.constant 1 : i32
    %sub3A_193 = arith.subi %get3A_157, %sub3A_192 : i32
    %jit3A_194 = arith.constant 128 : i32
    %div3A_195 = arith.divsi %sub3A_193, %jit3A_194 : i32
    %sign3A_196 = arith.constant 0 : i32
    %sign3A_197 = arith.cmpi sgt, %sub3A_193, %sign3A_196 : i32
    %sign3A_198 = arith.extui %sign3A_197 : i1 to i32
    %sign3A_199 = arith.constant 0 : i32
    %sign3A_200 = arith.cmpi slt, %sub3A_193, %sign3A_199 : i32
    %sign3A_201 = arith.extui %sign3A_200 : i1 to i32
    %sign3A_202 = arith.subi %sign3A_198, %sign3A_201 : i32
    %sign3A_203 = arith.constant 0 : i32
    %sign3A_204 = arith.cmpi sgt, %jit3A_194, %sign3A_203 : i32
    %sign3A_205 = arith.extui %sign3A_204 : i1 to i32
    %sign3A_206 = arith.constant 0 : i32
    %sign3A_207 = arith.cmpi slt, %jit3A_194, %sign3A_206 : i32
    %sign3A_208 = arith.extui %sign3A_207 : i1 to i32
    %sign3A_209 = arith.subi %sign3A_205, %sign3A_208 : i32
    %ne3A_210 = arith.cmpi ne, %sign3A_202, %sign3A_209 : i32
    %rem3A_211 = arith.remsi %sub3A_193, %jit3A_194 : i32
    %ne3A_212 = arith.constant 0 : i32
    %ne3A_213 = arith.cmpi ne, %rem3A_211, %ne3A_212 : i32
    %and3A_214 = arith.andi %ne3A_210, %ne3A_213 : i1
    %sub3A_215 = arith.constant 1 : i32
    %sub3A_216 = arith.subi %div3A_195, %sub3A_215 : i32
    %select_n3A_217 = arith.select %and3A_214, %sub3A_216, %div3A_195 : i32
    %add3A_218 = arith.constant 1 : i32
    %add3A_219 = arith.addi %select_n3A_217, %add3A_218 : i32
    %while3A_220 = arith.constant 0 : i32
    %while3A_221 = arith.subi %add3A_219, %select_n3A_191 : i32
    %while3A_222 = arith.addi %select_n3A_191, %while3A_221 : i32
    %while3A_223 = arith.constant 1 : i32
    %while3A_224 = arith.divsi %while3A_221, %while3A_223 : i32
    %while3A_225 = arith.muli %while3A_224, %while3A_223 : i32
    %while3A_226 = arith.addi %select_n3A_191, %while3A_225 : i32
    %while3A_227 = arith.constant 1 : i32
    %while3A_228 = scf.for %while3A_312 = %select_n3A_191 to %while3A_226 step %while3A_227 iter_args(%while3A_313 = %while3A_220) -> (i32)  : i32 {
      %mul3A_314 = arith.constant 128 : i32
      %mul3A_315 = arith.muli %while3A_312, %mul3A_314 : i32
      %get3A_316 = arith.index_cast %mul3A_315 : i32 to index
      %get3A_317 = arith.constant 0 : index
      %get3A_318 = vector.load %arg3[%get3A_316, %get3A_317] : memref<2048x768xf32, #tpu.memory_space<vmem>>, vector<128x768xf32>
      %dot_general3A = arith.constant dense<0.000000e+00> : vector<128x768xf32>
      %dot_general3A_319 = tpu.matmul %get3A_318, %get3A_162, %dot_general3A {dimension_numbers = #tpu.dot_dimension_numbers<[1], [0], [0], [1], [0, 0, 1, 1], [], []>, transpose_lhs_hint = false} : vector<128x768xf32>, vector<768x768xf32>, vector<128x768xf32> -> vector<128x768xf32>
      %add3A_320 = vector.broadcast %get3A_167 : vector<1x768xf32> to vector<128x768xf32>
      %add3A_321 = arith.addf %dot_general3A_319, %add3A_320 : vector<128x768xf32>
      %iota3A = tpu.iota {dimensions = array<i32: 0>} : vector<128x1xi32>
      %add3A_322 = vector.broadcast %mul3A_315 : i32 to vector<128x1xi32>
      %add3A_323 = arith.addi %add3A_322, %iota3A : vector<128x1xi32>
      %ge3A = vector.broadcast %get3A_155 : i32 to vector<128x1xi32>
      %ge3A_324 = arith.cmpi sge, %add3A_323, %ge3A : vector<128x1xi32>
      %lt3A = vector.broadcast %get3A_157 : i32 to vector<128x1xi32>
      %lt3A_325 = arith.cmpi slt, %add3A_323, %lt3A : vector<128x1xi32>
      %and3A_326 = arith.andi %ge3A_324, %lt3A_325 : vector<128x1xi1>
      %jit3A_327 = arith.constant 0.000000e+00 : f32
      %broadcast_in_dim3A = vector.shape_cast %and3A_326 : vector<128x1xi1> to vector<128x1xi1>
      %broadcast_in_dim3A_328 = vector.broadcast %broadcast_in_dim3A : vector<128x1xi1> to vector<128x768xi1>
      %broadcast_in_dim3A_329 = vector.broadcast %jit3A_327 : f32 to vector<128x768xf32>
      %select_n3A_330 = arith.select %broadcast_in_dim3A_328, %add3A_321, %broadcast_in_dim3A_329 : vector<128x768xi1>, vector<128x768xf32>
      %le3A = arith.cmpi sle, %get3A_155, %mul3A_315 : i32
      %convert_element_type3A = arith.extui %le3A : i1 to i32
      %cond3A = arith.constant 0 : i32
      %cond3A_331 = arith.cmpi ne, %convert_element_type3A, %cond3A : i32
      scf.if %cond3A_331 {
        %swap3A = arith.index_cast %mul3A_315 : i32 to index
        %swap3A_336 = arith.constant 0 : index
        %swap3A_337 = vector.load %arg6[%swap3A, %swap3A_336] : memref<2048x768xf32, #tpu.memory_space<vmem>>, vector<128x768xf32>
        tpu.vector_store %arg6[%swap3A, %swap3A_336], %select_n3A_330 {strides = array<i32>} : memref<2048x768xf32, #tpu.memory_space<vmem>>, vector<128x768xf32>,
      } else {
      }
      %gt3A = arith.cmpi sgt, %get3A_155, %mul3A_315 : i32
      %convert_element_type3A_332 = arith.extui %gt3A : i1 to i32
      %cond3A_333 = arith.constant 0 : i32
      %cond3A_334 = arith.cmpi ne, %convert_element_type3A_332, %cond3A_333 : i32
      scf.if %cond3A_334 {
        %get3A_336 = arith.index_cast %mul3A_315 : i32 to index
        %get3A_337 = arith.constant 0 : index
        %get3A_338 = vector.load %arg6[%get3A_336, %get3A_337] : memref<2048x768xf32, #tpu.memory_space<vmem>>, vector<128x768xf32>
        %add3A_339 = arith.addf %get3A_338, %select_n3A_330 : vector<128x768xf32>
        %swap3A = arith.index_cast %mul3A_315 : i32 to index
        %swap3A_340 = arith.constant 0 : index
        %swap3A_341 = vector.load %arg6[%swap3A, %swap3A_340] : memref<2048x768xf32, #tpu.memory_space<vmem>>, vector<128x768xf32>
        tpu.vector_store %arg6[%swap3A, %swap3A_340], %add3A_339 {strides = array<i32>} : memref<2048x768xf32, #tpu.memory_space<vmem>>, vector<128x768xf32>,
      } else {
      }
      %while3A_335 = arith.constant 0 : i32
      scf.yield %while3A_335 : i32
    }
    %while3A_229 = arith.constant 1 : i32
    %while3A_230 = scf.for %while3A_312 = %while3A_226 to %while3A_222 step %while3A_229 iter_args(%while3A_313 = %while3A_228) -> (i32)  : i32 {
      %mul3A_314 = arith.constant 128 : i32
      %mul3A_315 = arith.muli %while3A_312, %mul3A_314 : i32
      %get3A_316 = arith.index_cast %mul3A_315 : i32 to index
      %get3A_317 = arith.constant 0 : index
      %get3A_318 = vector.load %arg3[%get3A_316, %get3A_317] : memref<2048x768xf32, #tpu.memory_space<vmem>>, vector<128x768xf32>
      %dot_general3A = arith.constant dense<0.000000e+00> : vector<128x768xf32>
      %dot_general3A_319 = tpu.matmul %get3A_318, %get3A_162, %dot_general3A {dimension_numbers = #tpu.dot_dimension_numbers<[1], [0], [0], [1], [0, 0, 1, 1], [], []>, transpose_lhs_hint = false} : vector<128x768xf32>, vector<768x768xf32>, vector<128x768xf32> -> vector<128x768xf32>
      %add3A_320 = vector.broadcast %get3A_167 : vector<1x768xf32> to vector<128x768xf32>
      %add3A_321 = arith.addf %dot_general3A_319, %add3A_320 : vector<128x768xf32>
      %iota3A = tpu.iota {dimensions = array<i32: 0>} : vector<128x1xi32>
      %add3A_322 = vector.broadcast %mul3A_315 : i32 to vector<128x1xi32>
      %add3A_323 = arith.addi %add3A_322, %iota3A : vector<128x1xi32>
      %ge3A = vector.broadcast %get3A_155 : i32 to vector<128x1xi32>
      %ge3A_324 = arith.cmpi sge, %add3A_323, %ge3A : vector<128x1xi32>
      %lt3A = vector.broadcast %get3A_157 : i32 to vector<128x1xi32>
      %lt3A_325 = arith.cmpi slt, %add3A_323, %lt3A : vector<128x1xi32>
      %and3A_326 = arith.andi %ge3A_324, %lt3A_325 : vector<128x1xi1>
      %jit3A_327 = arith.constant 0.000000e+00 : f32
      %broadcast_in_dim3A = vector.shape_cast %and3A_326 : vector<128x1xi1> to vector<128x1xi1>
      %broadcast_in_dim3A_328 = vector.broadcast %broadcast_in_dim3A : vector<128x1xi1> to vector<128x768xi1>
      %broadcast_in_dim3A_329 = vector.broadcast %jit3A_327 : f32 to vector<128x768xf32>
      %select_n3A_330 = arith.select %broadcast_in_dim3A_328, %add3A_321, %broadcast_in_dim3A_329 : vector<128x768xi1>, vector<128x768xf32>
      %le3A = arith.cmpi sle, %get3A_155, %mul3A_315 : i32
      %convert_element_type3A = arith.extui %le3A : i1 to i32
      %cond3A = arith.constant 0 : i32
      %cond3A_331 = arith.cmpi ne, %convert_element_type3A, %cond3A : i32
      scf.if %cond3A_331 {
        %swap3A = arith.index_cast %mul3A_315 : i32 to index
        %swap3A_336 = arith.constant 0 : index
        %swap3A_337 = vector.load %arg6[%swap3A, %swap3A_336] : memref<2048x768xf32, #tpu.memory_space<vmem>>, vector<128x768xf32>
        tpu.vector_store %arg6[%swap3A, %swap3A_336], %select_n3A_330 {strides = array<i32>} : memref<2048x768xf32, #tpu.memory_space<vmem>>, vector<128x768xf32>,
      } else {
      }
      %gt3A = arith.cmpi sgt, %get3A_155, %mul3A_315 : i32
      %convert_element_type3A_332 = arith.extui %gt3A : i1 to i32
      %cond3A_333 = arith.constant 0 : i32
      %cond3A_334 = arith.cmpi ne, %convert_element_type3A_332, %cond3A_333 : i32
      scf.if %cond3A_334 {
        %get3A_336 = arith.index_cast %mul3A_315 : i32 to index
        %get3A_337 = arith.constant 0 : index
        %get3A_338 = vector.load %arg6[%get3A_336, %get3A_337] : memref<2048x768xf32, #tpu.memory_space<vmem>>, vector<128x768xf32>
        %add3A_339 = arith.addf %get3A_338, %select_n3A_330 : vector<128x768xf32>
        %swap3A = arith.index_cast %mul3A_315 : i32 to index
        %swap3A_340 = arith.constant 0 : index
        %swap3A_341 = vector.load %arg6[%swap3A, %swap3A_340] : memref<2048x768xf32, #tpu.memory_space<vmem>>, vector<128x768xf32>
        tpu.vector_store %arg6[%swap3A, %swap3A_340], %add3A_339 {strides = array<i32>} : memref<2048x768xf32, #tpu.memory_space<vmem>>, vector<128x768xf32>,
      } else {
      }
      %while3A_335 = arith.constant 0 : i32
      scf.yield %while3A_335 : i32
    }
    %mul3A_231 = arith.constant 4 : i32
    %mul3A_232 = arith.muli %arg0, %mul3A_231 : i32
    %add3A_233 = arith.constant 3 : i32
    %add3A_234 = arith.addi %mul3A_232, %add3A_233 : i32
    %get3A_235 = arith.index_cast %add3A_234 : i32 to index
    %get3A_236 = memref.load %arg1[%get3A_235] : memref<64xi32, #tpu.memory_space<smem>>
    %get3A_237 = arith.index_cast %add3A_234 : i32 to index
    %get3A_238 = memref.load %arg2[%get3A_237] : memref<64xi32, #tpu.memory_space<smem>>
    %get3A_239 = arith.constant 3 : index
    %get3A_240 = arith.constant 0 : index
    %get3A_241 = arith.constant 0 : index
    %get3A_242 = vector.load %arg4[%get3A_239, %get3A_240, %get3A_241] : memref<4x768x768xf32, #tpu.memory_space<vmem>>, vector<1x768x768xf32>
    %get3A_243 = vector.shape_cast %get3A_242 : vector<1x768x768xf32> to vector<768x768xf32>
    %get3A_244 = arith.constant 3 : index
    %get3A_245 = arith.constant 0 : index
    %get3A_246 = arith.constant 0 : index
    %get3A_247 = vector.load %arg5[%get3A_244, %get3A_245, %get3A_246] : memref<4x1x768xf32, #tpu.memory_space<vmem>>, vector<1x1x768xf32>
    %get3A_248 = vector.shape_cast %get3A_247 : vector<1x1x768xf32> to vector<1x768xf32>
    %jit3A_249 = arith.constant 128 : i32
    %div3A_250 = arith.divsi %get3A_236, %jit3A_249 : i32
    %sign3A_251 = arith.constant 0 : i32
    %sign3A_252 = arith.cmpi sgt, %get3A_236, %sign3A_251 : i32
    %sign3A_253 = arith.extui %sign3A_252 : i1 to i32
    %sign3A_254 = arith.constant 0 : i32
    %sign3A_255 = arith.cmpi slt, %get3A_236, %sign3A_254 : i32
    %sign3A_256 = arith.extui %sign3A_255 : i1 to i32
    %sign3A_257 = arith.subi %sign3A_253, %sign3A_256 : i32
    %sign3A_258 = arith.constant 0 : i32
    %sign3A_259 = arith.cmpi sgt, %jit3A_249, %sign3A_258 : i32
    %sign3A_260 = arith.extui %sign3A_259 : i1 to i32
    %sign3A_261 = arith.constant 0 : i32
    %sign3A_262 = arith.cmpi slt, %jit3A_249, %sign3A_261 : i32
    %sign3A_263 = arith.extui %sign3A_262 : i1 to i32
    %sign3A_264 = arith.subi %sign3A_260, %sign3A_263 : i32
    %ne3A_265 = arith.cmpi ne, %sign3A_257, %sign3A_264 : i32
    %rem3A_266 = arith.remsi %get3A_236, %jit3A_249 : i32
    %ne3A_267 = arith.constant 0 : i32
    %ne3A_268 = arith.cmpi ne, %rem3A_266, %ne3A_267 : i32
    %and3A_269 = arith.andi %ne3A_265, %ne3A_268 : i1
    %sub3A_270 = arith.constant 1 : i32
    %sub3A_271 = arith.subi %div3A_250, %sub3A_270 : i32
    %select_n3A_272 = arith.select %and3A_269, %sub3A_271, %div3A_250 : i32
    %sub3A_273 = arith.constant 1 : i32
    %sub3A_274 = arith.subi %get3A_238, %sub3A_273 : i32
    %jit3A_275 = arith.constant 128 : i32
    %div3A_276 = arith.divsi %sub3A_274, %jit3A_275 : i32
    %sign3A_277 = arith.constant 0 : i32
    %sign3A_278 = arith.cmpi sgt, %sub3A_274, %sign3A_277 : i32
    %sign3A_279 = arith.extui %sign3A_278 : i1 to i32
    %sign3A_280 = arith.constant 0 : i32
    %sign3A_281 = arith.cmpi slt, %sub3A_274, %sign3A_280 : i32
    %sign3A_282 = arith.extui %sign3A_281 : i1 to i32
    %sign3A_283 = arith.subi %sign3A_279, %sign3A_282 : i32
    %sign3A_284 = arith.constant 0 : i32
    %sign3A_285 = arith.cmpi sgt, %jit3A_275, %sign3A_284 : i32
    %sign3A_286 = arith.extui %sign3A_285 : i1 to i32
    %sign3A_287 = arith.constant 0 : i32
    %sign3A_288 = arith.cmpi slt, %jit3A_275, %sign3A_287 : i32
    %sign3A_289 = arith.extui %sign3A_288 : i1 to i32
    %sign3A_290 = arith.subi %sign3A_286, %sign3A_289 : i32
    %ne3A_291 = arith.cmpi ne, %sign3A_283, %sign3A_290 : i32
    %rem3A_292 = arith.remsi %sub3A_274, %jit3A_275 : i32
    %ne3A_293 = arith.constant 0 : i32
    %ne3A_294 = arith.cmpi ne, %rem3A_292, %ne3A_293 : i32
    %and3A_295 = arith.andi %ne3A_291, %ne3A_294 : i1
    %sub3A_296 = arith.constant 1 : i32
    %sub3A_297 = arith.subi %div3A_276, %sub3A_296 : i32
    %select_n3A_298 = arith.select %and3A_295, %sub3A_297, %div3A_276 : i32
    %add3A_299 = arith.constant 1 : i32
    %add3A_300 = arith.addi %select_n3A_298, %add3A_299 : i32
    %while3A_301 = arith.constant 0 : i32
    %while3A_302 = arith.subi %add3A_300, %select_n3A_272 : i32
    %while3A_303 = arith.addi %select_n3A_272, %while3A_302 : i32
    %while3A_304 = arith.constant 1 : i32
    %while3A_305 = arith.divsi %while3A_302, %while3A_304 : i32
    %while3A_306 = arith.muli %while3A_305, %while3A_304 : i32
    %while3A_307 = arith.addi %select_n3A_272, %while3A_306 : i32
    %while3A_308 = arith.constant 1 : i32
    %while3A_309 = scf.for %while3A_312 = %select_n3A_272 to %while3A_307 step %while3A_308 iter_args(%while3A_313 = %while3A_301) -> (i32)  : i32 {
      %mul3A_314 = arith.constant 128 : i32
      %mul3A_315 = arith.muli %while3A_312, %mul3A_314 : i32
      %get3A_316 = arith.index_cast %mul3A_315 : i32 to index
      %get3A_317 = arith.constant 0 : index
      %get3A_318 = vector.load %arg3[%get3A_316, %get3A_317] : memref<2048x768xf32, #tpu.memory_space<vmem>>, vector<128x768xf32>
      %dot_general3A = arith.constant dense<0.000000e+00> : vector<128x768xf32>
      %dot_general3A_319 = tpu.matmul %get3A_318, %get3A_243, %dot_general3A {dimension_numbers = #tpu.dot_dimension_numbers<[1], [0], [0], [1], [0, 0, 1, 1], [], []>, transpose_lhs_hint = false} : vector<128x768xf32>, vector<768x768xf32>, vector<128x768xf32> -> vector<128x768xf32>
      %add3A_320 = vector.broadcast %get3A_248 : vector<1x768xf32> to vector<128x768xf32>
      %add3A_321 = arith.addf %dot_general3A_319, %add3A_320 : vector<128x768xf32>
      %iota3A = tpu.iota {dimensions = array<i32: 0>} : vector<128x1xi32>
      %add3A_322 = vector.broadcast %mul3A_315 : i32 to vector<128x1xi32>
      %add3A_323 = arith.addi %add3A_322, %iota3A : vector<128x1xi32>
      %ge3A = vector.broadcast %get3A_236 : i32 to vector<128x1xi32>
      %ge3A_324 = arith.cmpi sge, %add3A_323, %ge3A : vector<128x1xi32>
      %lt3A = vector.broadcast %get3A_238 : i32 to vector<128x1xi32>
      %lt3A_325 = arith.cmpi slt, %add3A_323, %lt3A : vector<128x1xi32>
      %and3A_326 = arith.andi %ge3A_324, %lt3A_325 : vector<128x1xi1>
      %jit3A_327 = arith.constant 0.000000e+00 : f32
      %broadcast_in_dim3A = vector.shape_cast %and3A_326 : vector<128x1xi1> to vector<128x1xi1>
      %broadcast_in_dim3A_328 = vector.broadcast %broadcast_in_dim3A : vector<128x1xi1> to vector<128x768xi1>
      %broadcast_in_dim3A_329 = vector.broadcast %jit3A_327 : f32 to vector<128x768xf32>
      %select_n3A_330 = arith.select %broadcast_in_dim3A_328, %add3A_321, %broadcast_in_dim3A_329 : vector<128x768xi1>, vector<128x768xf32>
      %le3A = arith.cmpi sle, %get3A_236, %mul3A_315 : i32
      %convert_element_type3A = arith.extui %le3A : i1 to i32
      %cond3A = arith.constant 0 : i32
      %cond3A_331 = arith.cmpi ne, %convert_element_type3A, %cond3A : i32
      scf.if %cond3A_331 {
        %swap3A = arith.index_cast %mul3A_315 : i32 to index
        %swap3A_336 = arith.constant 0 : index
        %swap3A_337 = vector.load %arg6[%swap3A, %swap3A_336] : memref<2048x768xf32, #tpu.memory_space<vmem>>, vector<128x768xf32>
        tpu.vector_store %arg6[%swap3A, %swap3A_336], %select_n3A_330 {strides = array<i32>} : memref<2048x768xf32, #tpu.memory_space<vmem>>, vector<128x768xf32>,
      } else {
      }
      %gt3A = arith.cmpi sgt, %get3A_236, %mul3A_315 : i32
      %convert_element_type3A_332 = arith.extui %gt3A : i1 to i32
      %cond3A_333 = arith.constant 0 : i32
      %cond3A_334 = arith.cmpi ne, %convert_element_type3A_332, %cond3A_333 : i32
      scf.if %cond3A_334 {
        %get3A_336 = arith.index_cast %mul3A_315 : i32 to index
        %get3A_337 = arith.constant 0 : index
        %get3A_338 = vector.load %arg6[%get3A_336, %get3A_337] : memref<2048x768xf32, #tpu.memory_space<vmem>>, vector<128x768xf32>
        %add3A_339 = arith.addf %get3A_338, %select_n3A_330 : vector<128x768xf32>
        %swap3A = arith.index_cast %mul3A_315 : i32 to index
        %swap3A_340 = arith.constant 0 : index
        %swap3A_341 = vector.load %arg6[%swap3A, %swap3A_340] : memref<2048x768xf32, #tpu.memory_space<vmem>>, vector<128x768xf32>
        tpu.vector_store %arg6[%swap3A, %swap3A_340], %add3A_339 {strides = array<i32>} : memref<2048x768xf32, #tpu.memory_space<vmem>>, vector<128x768xf32>,
      } else {
      }
      %while3A_335 = arith.constant 0 : i32
      scf.yield %while3A_335 : i32
    }
    %while3A_310 = arith.constant 1 : i32
    %while3A_311 = scf.for %while3A_312 = %while3A_307 to %while3A_303 step %while3A_310 iter_args(%while3A_313 = %while3A_309) -> (i32)  : i32 {
      %mul3A_314 = arith.constant 128 : i32
      %mul3A_315 = arith.muli %while3A_312, %mul3A_314 : i32
      %get3A_316 = arith.index_cast %mul3A_315 : i32 to index
      %get3A_317 = arith.constant 0 : index
      %get3A_318 = vector.load %arg3[%get3A_316, %get3A_317] : memref<2048x768xf32, #tpu.memory_space<vmem>>, vector<128x768xf32>
      %dot_general3A = arith.constant dense<0.000000e+00> : vector<128x768xf32>
      %dot_general3A_319 = tpu.matmul %get3A_318, %get3A_243, %dot_general3A {dimension_numbers = #tpu.dot_dimension_numbers<[1], [0], [0], [1], [0, 0, 1, 1], [], []>, transpose_lhs_hint = false} : vector<128x768xf32>, vector<768x768xf32>, vector<128x768xf32> -> vector<128x768xf32>
      %add3A_320 = vector.broadcast %get3A_248 : vector<1x768xf32> to vector<128x768xf32>
      %add3A_321 = arith.addf %dot_general3A_319, %add3A_320 : vector<128x768xf32>
      %iota3A = tpu.iota {dimensions = array<i32: 0>} : vector<128x1xi32>
      %add3A_322 = vector.broadcast %mul3A_315 : i32 to vector<128x1xi32>
      %add3A_323 = arith.addi %add3A_322, %iota3A : vector<128x1xi32>
      %ge3A = vector.broadcast %get3A_236 : i32 to vector<128x1xi32>
      %ge3A_324 = arith.cmpi sge, %add3A_323, %ge3A : vector<128x1xi32>
      %lt3A = vector.broadcast %get3A_238 : i32 to vector<128x1xi32>
      %lt3A_325 = arith.cmpi slt, %add3A_323, %lt3A : vector<128x1xi32>
      %and3A_326 = arith.andi %ge3A_324, %lt3A_325 : vector<128x1xi1>
      %jit3A_327 = arith.constant 0.000000e+00 : f32
      %broadcast_in_dim3A = vector.shape_cast %and3A_326 : vector<128x1xi1> to vector<128x1xi1>
      %broadcast_in_dim3A_328 = vector.broadcast %broadcast_in_dim3A : vector<128x1xi1> to vector<128x768xi1>
      %broadcast_in_dim3A_329 = vector.broadcast %jit3A_327 : f32 to vector<128x768xf32>
      %select_n3A_330 = arith.select %broadcast_in_dim3A_328, %add3A_321, %broadcast_in_dim3A_329 : vector<128x768xi1>, vector<128x768xf32>
      %le3A = arith.cmpi sle, %get3A_236, %mul3A_315 : i32
      %convert_element_type3A = arith.extui %le3A : i1 to i32
      %cond3A = arith.constant 0 : i32
      %cond3A_331 = arith.cmpi ne, %convert_element_type3A, %cond3A : i32
      scf.if %cond3A_331 {
        %swap3A = arith.index_cast %mul3A_315 : i32 to index
        %swap3A_336 = arith.constant 0 : index
        %swap3A_337 = vector.load %arg6[%swap3A, %swap3A_336] : memref<2048x768xf32, #tpu.memory_space<vmem>>, vector<128x768xf32>
        tpu.vector_store %arg6[%swap3A, %swap3A_336], %select_n3A_330 {strides = array<i32>} : memref<2048x768xf32, #tpu.memory_space<vmem>>, vector<128x768xf32>,
      } else {
      }
      %gt3A = arith.cmpi sgt, %get3A_236, %mul3A_315 : i32
      %convert_element_type3A_332 = arith.extui %gt3A : i1 to i32
      %cond3A_333 = arith.constant 0 : i32
      %cond3A_334 = arith.cmpi ne, %convert_element_type3A_332, %cond3A_333 : i32
      scf.if %cond3A_334 {
        %get3A_336 = arith.index_cast %mul3A_315 : i32 to index
        %get3A_337 = arith.constant 0 : index
        %get3A_338 = vector.load %arg6[%get3A_336, %get3A_337] : memref<2048x768xf32, #tpu.memory_space<vmem>>, vector<128x768xf32>
        %add3A_339 = arith.addf %get3A_338, %select_n3A_330 : vector<128x768xf32>
        %swap3A = arith.index_cast %mul3A_315 : i32 to index
        %swap3A_340 = arith.constant 0 : index
        %swap3A_341 = vector.load %arg6[%swap3A, %swap3A_340] : memref<2048x768xf32, #tpu.memory_space<vmem>>, vector<128x768xf32>
        tpu.vector_store %arg6[%swap3A, %swap3A_340], %add3A_339 {strides = array<i32>} : memref<2048x768xf32, #tpu.memory_space<vmem>>, vector<128x768xf32>,
      } else {
      }
      %while3A_335 = arith.constant 0 : i32
      scf.yield %while3A_335 : i32
    }
    return
  }
  func.func @transform_0(%arg0: i32, %arg1: memref<64xi32, #tpu.memory_space<smem>>, %arg2: memref<64xi32, #tpu.memory_space<smem>>) -> (i32, i32) {
    %c0_i32 = arith.constant 0 : i32
    %c0_i32_0 = arith.constant 0 : i32
    %c0_i32_1 = arith.constant 0 : i32
    return %c0_i32, %c0_i32_0 : i32, i32
  }
  func.func @transform_1(%arg0: i32, %arg1: memref<64xi32, #tpu.memory_space<smem>>, %arg2: memref<64xi32, #tpu.memory_space<smem>>) -> (i32, i32, i32) {
    %c0_i32 = arith.constant 0 : i32
    %c0_i32_0 = arith.constant 0 : i32
    %c0_i32_1 = arith.constant 0 : i32
    return %arg0, %c0_i32, %c0_i32_0 : i32, i32, i32
  }
  func.func @transform_2(%arg0: i32, %arg1: memref<64xi32, #tpu.memory_space<smem>>, %arg2: memref<64xi32, #tpu.memory_space<smem>>) -> (i32, i32, i32) {
    %c0_i32 = arith.constant 0 : i32
    %c0_i32_0 = arith.constant 0 : i32
    %c0_i32_1 = arith.constant 0 : i32
    return %arg0, %c0_i32, %c0_i32_0 : i32, i32, i32
  }
  func.func @transform_3(%arg0: i32, %arg1: memref<64xi32, #tpu.memory_space<smem>>, %arg2: memref<64xi32, #tpu.memory_space<smem>>) -> (i32, i32) {
    %c0_i32 = arith.constant 0 : i32
    %c0_i32_0 = arith.constant 0 : i32
    %c0_i32_1 = arith.constant 0 : i32
    return %c0_i32, %c0_i32_0 : i32, i32
  }
}

</mosaic_0001>

<sc_bundles>
// kernel: kernel.6.cloned.1.call-start
scs
__scs_entry_jumppad:
0x0: {  	(pc) =	sbr.rel $0x88, $3  }
0x1: {  	(tag) =	ssettag $0x0;
	lr =	simm.s32 $0x1  }
0x2: {  	[smem:$0x3F9C] =	sst lr;
	_ =	strace $0xD0000000  }
0x3: {  	_ = 	snop  }
0x4: {  	_ = 	snop  }
0x5: {  	_ = 	snop  }
0x6: {  	_ = 	snop  }
0x7: {  	_ = 	snop  }
__scs_overlays_trampoline_lowered:
0x8: {  	[smem:$0x3FAB] =	sst s0  }
0x9: {  	[smem:$0x3FAC] =	sst s1  }
0xa: {  	[smem:$0x3FAD] =	sst s2  }
0xb: {  	[smem:$0x3FAE] =	sst s3  }
0xc: {  	[smem:$0x3FAF] =	sst s4  }
0xd: {  	[smem:$0x3FB0] =	sst s5  }
0xe: {  	[smem:$0x3FB1] =	sst s6  }
0xf: {  	[smem:$0x3FB2] =	sst s7  }
0x10: {  	[smem:$0x3FB3] =	sst s8  }
0x11: {  	[smem:$0x3FB4] =	sst s9;
	s0 =	simm.s32 @!p0 $0x0  }
0x12: {  	s1 =	sld [smem:$0x3F9A];
	s0 =	simm.s32 @p0 $0x1  }
0x13: {  	[smem:$0x3FB5] =	sst s0;
	s0 =	simm.s32 @!p1 $0x0  }
0x14: {  	s2 =	sld [smem:$0x3F99];
	s0 =	simm.s32 @p1 $0x1  }
0x15: {  	[smem:$0x3FB6] =	sst s0;
	s0 =	simm.s32 @!p2 $0x0  }
0x16: {  	s3 =	sld [smem:$0x3FDB];
	s0 =	simm.s32 @p2 $0x1  }
0x17: {  	s4 =	simm.s32 $0x1BF5;
	[smem:$0x3FB8] =	sst s0  }
0x18: {  	s0 =	sld [smem:$0x3F9B];
	_ =	swait.ge [sflag:s4], $0x0  }
0x19: {  	s7 =	sld [smem:$0x3F9C]  }
0x1a: {  	s8 =	sadd.s32 $0xFFFFE003, lr  }
0x1b: {  	s9 =	sadd.s32 $0xFFFFFEF7, lr;
	s5 =	simm.s32 $0xFFFFFFFF;
	p2 =	slt.u32 s8, $0xFFFFF086  }
0x1c: {  	p1 =	slt.u32 s9, $0xF7A;
	s5 =	simm.s32 @!p2 $0x0  }
0x1d: {  	s5 =	simm.s32 @p1 $0x1;
	p0 =	seq.s32 s7, s2  }
0x1e: {  	s7 =	smul.u32 @!p0 $0xF7A, s2;
	p2 =	seq.s32 @!p0 s5, $0x0  }
0x1f: {  	s9 =	smul.u32 $0xF7A, s1;
	s8 =	simm.s32 @!p0 $0x1BF5;
	p2 =	por !p2, p0  }
0x20: {  	[sflag:s8] =	ssyncset.s32 @!p0 $0xFFFFF086;
	s6 =	sadd.s32 @!p0 s3, s7;
	s7 =	simm.s32 @!p0 $0x108  }
0x21: {  	s3 =	sadd.s32 s3, s9;
	s6 =	sadd.s32 @!p0 $0x88, s6;
	s7 =	simm.s32 @p2 $0x1082  }
0x22: {  	[simem:s7], [sflag:s8] =	dma.local @!p0 [hbm:s6], $0xF7A  }
0x23: {  	s9 =	sor.u32 $0xD0000000, s2;
	s6 =	simm.s32 $0x108;
	_ =	swait.ge @!p0 [sflag:s8], $0x0  }
0x24: {  	s3 =	sadd.s32 $0x88, s3;
	s6 =	simm.s32 @!p1 $0x1082;
	[sflag:s4] =	ssyncset.s32 $0xFFFFF086  }
0x25: {  	[simem:s6], [sflag:s4] =	dma.local [hbm:s3], $0xF7A  }
0x26: {  	[smem:$0x3F9C] =	sst s1;
	(tag) =	ssettag s2;
	_ =	strace s9  }
0x27: {  	s1 =	sld [smem:$0x3FAC]  }
0x28: {  	s2 =	sld [smem:$0x3FAD]  }
0x29: {  	s4 =	sld [smem:$0x3FAF]  }
0x2a: {  	p0 =	seq.s32 s5, $0x0;
	s5 =	sld [smem:$0x3FB0]  }
0x2b: {  	s6 =	sld [smem:$0x3FB1]  }
0x2c: {  	s7 =	sld [smem:$0x3FB2]  }
0x2d: {  	s3 =	simm.s32 $0x108;
	s8 =	sld [smem:$0x3FB3]  }
0x2e: {  	s3 =	simm.s32 @!p0 $0x1082;
	s9 =	sld [smem:$0x3FB4]  }
0x2f: {  	lr =	sadd.s32 s0, s3;
	s0 =	sld [smem:$0x3FAB]  }
0x30: {  	s3 =	sld [smem:$0x3FAE]  }
0x31: {  	[smem:$0x3FB7] =	sst s10  }
0x32: {  	s10 =	sld [smem:$0x3FB5];
	_ =	sdelay $0x3  }
0x33: {  	p0 =	seq.s32 s10, $0x1;
	s10 =	sld [smem:$0x3FB7];
	_ =	sdelay $0x3  }
0x34: {  	[smem:$0x3FB7] =	sst s10  }
0x35: {  	s10 =	sld [smem:$0x3FB6];
	_ =	sdelay $0x3  }
0x36: {  	p1 =	seq.s32 s10, $0x1;
	s10 =	sld [smem:$0x3FB7];
	_ =	sdelay $0x3  }
0x37: {  	[smem:$0x3FB7] =	sst s10  }
0x38: {  	s10 =	sld [smem:$0x3FB8]  }
0x39: {  	_ = 	snop;
	(pc) =	sbr.ind lr, $3  }
0x3a: {  	_ = 	snop  }
0x3b: {  	_ = 	snop  }
0x3c: {  	p2 =	seq.s32 s10, $0x1;
	s10 =	sld [smem:$0x3FB7]  }
0x3d: {  	_ =	shalt  }
0x3e: {  	_ =	shalt  }
0x3f: {  	_ =	shalt  }
0x40: {  	_ =	shalt  }
0x41: {  	_ =	shalt  }
0x42: {  	_ =	shalt  }
0x43: {  	_ =	shalt  }
0x44: {  	_ =	shalt  }
0x45: {  	_ =	shalt  }
0x46: {  	_ =	shalt  }
0x47: {  	_ =	shalt  }
0x48: {  	_ =	shalt  }
0x49: {  	_ =	shalt  }
0x4a: {  	_ =	shalt  }
0x4b: {  	_ =	shalt  }
0x4c: {  	_ =	shalt  }
0x4d: {  	_ =	shalt  }
0x4e: {  	_ =	shalt  }
0x4f: {  	_ =	shalt  }
0x50: {  	_ =	shalt  }
0x51: {  	_ =	shalt  }
0x52: {  	_ =	shalt  }
0x53: {  	_ =	shalt  }
0x54: {  	_ =	shalt  }
0x55: {  	_ =	shalt  }
0x56: {  	_ =	shalt  }
0x57: {  	_ =	shalt  }
0x58: {  	_ =	shalt  }
0x59: {  	_ =	shalt  }
0x5a: {  	_ =	shalt  }
0x5b: {  	_ =	shalt  }
0x5c: {  	_ =	shalt  }
0x5d: {  	_ =	shalt  }
0x5e: {  	_ =	shalt  }
0x5f: {  	_ =	shalt  }
0x60: {  	_ =	shalt  }
0x61: {  	_ =	shalt  }
0x62: {  	_ =	shalt  }
0x63: {  	_ =	shalt  }
0x64: {  	_ =	shalt  }
0x65: {  	_ =	shalt  }
0x66: {  	_ =	shalt  }
0x67: {  	_ =	shalt  }
0x68: {  	_ =	shalt  }
0x69: {  	_ =	shalt  }
0x6a: {  	_ =	shalt  }
0x6b: {  	_ =	shalt  }
0x6c: {  	_ =	shalt  }
0x6d: {  	_ =	shalt  }
0x6e: {  	_ =	shalt  }
0x6f: {  	_ =	shalt  }
0x70: {  	_ =	shalt  }
0x71: {  	_ =	shalt  }
0x72: {  	_ =	shalt  }
0x73: {  	_ =	shalt  }
0x74: {  	_ =	shalt  }
0x75: {  	_ =	shalt  }
0x76: {  	_ =	shalt  }
0x77: {  	_ =	shalt  }
0x78: {  	_ =	shalt  }
0x79: {  	_ =	shalt  }
0x7a: {  	_ =	shalt  }
0x7b: {  	_ =	shalt  }
0x7c: {  	_ =	shalt  }
0x7d: {  	_ =	shalt  }
0x7e: {  	_ =	shalt  }
0x7f: {  	_ =	shalt  }
0x80: {  	_ =	shalt  }
0x81: {  	_ =	shalt  }
0x82: {  	_ =	shalt  }
0x83: {  	_ =	shalt  }
0x84: {  	_ =	shalt  }
0x85: {  	_ =	shalt  }
0x86: {  	_ =	shalt  }
0x87: {  	_ =	shalt  }
.Lfunc_end0:
.L_simem_size_0:
called_computation_lowered:
.L_overlay_start_0:
0x88: {  	s2 =	sld [smem:$0x3FD9]  }
0x89: {  	s3 =	sld [smem:$0x3FFE];
	_ =	sdelay $0x1  }
0x8a: {  	s1 =	srdreg.scid  }
0x8b: {  	s0 =	sand.u32 $0x1, s1  }
0x8c: {  	s17 =	sshll.u32 s0, $0xA;
	s2 =	sadd.s32 s3, s2  }
0x8d: {  	s2 =	sadd.s32 s2, s17  }
0x8e: {  	[smem:$0x3FC3] =	sst s2  }
0x8f: {  	_ = 	snop  }
0x90: {  	s2 =	sld [smem:$0x3FC9]  }
0x91: {  	s18 =	sld [smem:$0x3FD0];
	(tm) =	ssettm $0x1  }
0x92: {  	s4 =	sld [smem:$0x3FFB];
	_ =	sdelay $0x3  }
0x93: {  	_ =	strace s4  }
0x94: {  	s4 =	sld [smem:$0x3FFC];
	_ =	sdelay $0x3  }
0x95: {  	_ =	strace s4  }
0x96: {  	s4 =	sld [smem:$0x3FFD];
	_ =	sdelay $0x3  }
0x97: {  	_ =	strace s4  }
0x98: {  	_ =	strace $0x8FFFFFFF  }
0x99: {  	s19 =	sld [smem:$0x3FDB];
	_ =	sdelay $0x1  }
0x9a: {  	s5 =	simm.s32 $_scs_section_size  }
0x9b: {  	s6 =	simm.s32 $_size__tile_overlayer_lowered;
	s7 =	simm.s32 $_tile_overlayer_lowered  }
0x9c: {  	s22 =	simm.s32 $0x1BFF;
	s21 =	sshll.u32 s7, $0x1;
	s4 =	sadd.s32 s5, s19  }
0x9d: {  	s8 =	simm.s32 $0x0;
	s20 =	sshll.u32 s6, $0x1;
	s6 =	sadd.s32 s21, s4  }
0x9e: {  	[timem:s8], [sflag:s22] =	dma.local [hbm:s6], s20  }
0x9f: {  	_ =	swait.ge [sflag:s22], s20  }
0xa0: {  	s5 =	ssub.s32 $0x0, s20;
	[sflag:s22] =	ssyncset.done $0x0  }
0xa1: {  	[sflag:s22] =	ssyncadd.s32 s5;
	_ =	sdelay $0x1  }
0xa2: {  	s23 =	simm.s32 $0x1B8B  }
0xa3: {  	_ =	swait.ge [sflag:s23], $0x1  }
0xa4: {  	[sflag:s23] =	ssyncset.done $0x0  }
0xa5: {  	s25 =	simm.s32 $0x1B8E;
	s24 =	sld [smem:$0x3FFE];
	[sflag:s23] =	ssyncadd.s32 $0xFFFFFFFF  }
0xa6: {  	s26 =	simm.s32 $execute0_lowered;
	[smem:$0x3FD2] =	sst s25  }
0xa7: {  	s6 =	sshll.u32 s26, $0x1;
	_ =	strace $0x80000046;
	[dreg:$0x1] =	wrdreg $0xFFFFFFFF  }
0xa8: {  	s28 =	simm.s32 $_size_execute0_lowered;
	s4 =	sadd.s32 s4, s6;
	[dreg:$0x0] =	wrdreg $0x0  }
0xa9: {  	s6 =	sshll.u32 s28, $0x1;
	[dreg:$0x2] =	wrdreg s4  }
0xaa: {  	[dreg:$0x3] =	wrdreg s6  }
0xab: {  	[dreg:$0x4] =	wrdreg $0xC0  }
0xac: {  	_ =	task [dreg:s8], $0x5FFFF  }
0xad: {  	[dreg:$0x1] =	wrdreg $0xFFFFFFFF  }
0xae: {  	[dreg:$0x0] =	wrdreg $0x60  }
0xaf: {  	[dreg:$0x2] =	wrdreg s2  }
0xb0: {  	[dreg:$0x3] =	wrdreg s24  }
0xb1: {  	[dreg:$0x4] =	wrdreg s18  }
0xb2: {  	[dreg:$0x5] =	wrdreg $0x9  }
0xb3: {  	_ =	task.clear_ibuf [dreg:s8], $0x6FFFF;
	_ =	strace $0x90000046  }
0xb4: {  	s29 =	simm.s32 $0x9;
	_ =	strace $0x80000048  }
0xb5: {  	_ =	swait.ge [sflag:s29], $0x1  }
0xb6: {  	[sflag:s29] =	ssyncadd.s32 $0xFFFFFFFF  }
0xb7: {  	_ =	strace $0x90000048  }
0xb8: {  	_ =	sfence  }
0xb9: {  	s30 =	sld [smem:$0x0];
	_ =	sdelay $0x2  }
0xba: {  	s31 =	sshll.u32 s1, $0xD;
	s1 =	sshrl.u32 s1, $0x2  }
0xbb: {  	s3 =	sand.u32 $0x4000, s31;
	s1 =	sadd.s32 s1, s30  }
0xbc: {  	s0 =	sor.u32 s3, s0;
	s1 =	sshll.u32 s1, $0x11  }
0xbd: {  	s0 =	sor.u32 s1, s0  }
0xbe: {  	s0 =	sadd.s32 $0x8F2B, s0  }
0xbf: {  	[sflag:s0] =	ssyncadd.remote.s32 $0x1  }
0xc0: {  	_ =	sfence.sel $0xFFFF  }
0xc1: {  	[dreg:$0x0] =	wrdreg $0xFFFFFFFF;
	(pc) =	sbr.abs _section_cstart, $3  }
0xc2: {  	[dreg:$0x1] =	wrdreg $0xFFFFFFFF  }
0xc3: {  	_ =	task.clear_ibuf [dreg:s8], $0x2FFFF;
	_ =	strace $0x9FFFFFFF  }
0xc4: {  	(tm) =	ssettm $0x7FFFFFFF  }
0xc5: {  	_ =	shalt  }
tec
execute0_lowered:
.L_overlay_start_1:
0x0: {  	(tag) =	ssettag $0x1  }
0x1: {  	s0 =	rddreg [dreg:$0x0]  }
0x2: {  	s4 =	rddreg [dreg:$0x1]  }
0x3: {  	s2 =	rddreg [dreg:$0x2];
	s5 =	srdreg.scid  }
0x4: {  	s3 =	simm.s32 $0x0;
	s1 =	stileid.u32;
	s23 =	simm.s32 $0x80  }
0x5: {  	s24 =	simm.s32 $0x900;
	s25 =	simm.s32 $0x1100;
	s26 =	simm.s32 $0x1900  }
0x6: {  	s9 =	simm.s32 $0x1;
	s10 =	simm.s32 $0x3;
	s13 =	simm.s32 $0x3100  }
0x7: {  	s14 =	simm.s32 $0x3900;
	s15 =	simm.s32 $0x4100;
	s16 =	simm.s32 $0x4900  }
0x8: {  	s17 =	simm.s32 $0x5100;
	s18 =	simm.s32 $0x5900;
	s19 =	simm.s32 $0x2  }
0x9: {  	s28 =	simm.s32 $0x9900;
	s29 =	simm.s32 $0xA100;
	[smem:$0x7FF] =	sst s3  }
0xa: {  	s30 =	simm.s32 $0xA900;
	_ =	strace $0x80000047;
	[dreg:$0x8] =	wrdreg s23  }
0xb: {  	s31 =	simm.s32 $0xB100;
	s5 =	sand.u32 $0x1, s5;
	[dreg:$0x9] =	wrdreg s24  }
0xc: {  	s6 =	sshll.u32 s1, $0x4;
	s4 =	sadd.s32 $0x1000, s4;
	[dreg:$0xa] =	wrdreg s25  }
0xd: {  	s7 =	sshll.u32 s5, $0x3;
	s5 =	ssub.s32 $0x2, s5;
	[dreg:$0xb] =	wrdreg s26  }
0xe: {  	s23 =	simm.s32 $0x7900;
	s24 =	simm.s32 $0x8100;
	s25 =	simm.s32 $0x8900  }
0xf: {  	s26 =	simm.s32 $0x9100;
	s6 =	sor.u32 s7, s6;
	s22 =	sshrl.u32 s5, $0x1  }
0x10: {  	s7 =	sadd.s32 s4, s6;
	s8 =	sor.u32 $0x4, s6;
	s6 =	smul.u32 $0x300, s6  }
0x11: {  	[dreg:$0x4] =	wrdreg s7;
	s4 =	sadd.s32 s4, s8;
	s20 =	smul.u32 $0x300, s8  }
0x12: {  	s7 =	simm.s32 $0x100;
	s8 =	simm.s32 $0x6100;
	[dreg:$0x5] =	wrdreg s4  }
0x13: {  	s21 =	sadd.s32 s0, s6;
	s6 =	ssub.s32 s5, s22;
	s4 =	sadd.s32 $0x100, s2  }
0x14: {  	v2 =	vlaneseq.u32;
	s5 =	sadd.s32 $0x200, s2;
	s22 =	simm.s32 $0x7100;
	[dreg:$0x6] =	wrdreg s21  }
0x15: {  	vm0 =	vmmov $0xffff;
	v1 =	vshrl.u32 v2, $0x3;
	s0 =	sadd.s32 s0, s20;
	s6 =	smax.u32 s6, $0x1;
	s20 =	simm.s32 $0x4  }
0x16: {  	v0 =	vand.u32 $0x7, v2;
	v2 =	vor.u32 $0x8, v2;
	v1 =	vmul.u32 $0x8, v1;
	s21 =	simm.s32 $0x6900;
	[dreg:$0x7] =	wrdreg s0;
	s0 =	simm.s32 $0xB900  }
.LBB2_1:
0x17: {  	s1 =	rddreg [dreg:$0x4]  }
0x18: {  	s11 =	rddreg [dreg:$0x5]  }
0x19: {  	[tilespmem:s3], [sflag:$0x1] =	stream.linear.gather [hbm4b:s1+s3], $0x20, $0x38;
	[tilespmem:$0xC100] =	vst v63  }
0x1a: {  	s12 =	rddreg [dreg:$0x8]  }
0x1b: {  	[tilespmem:s12], [sflag:$0x2] =	stream.linear.gather [hbm4b:s11+s3], $0x20, $0x38;
	[tilespmem:$0xC100] =	vst v63  }
0x1c: {  	s1 =	rddreg [dreg:$0x6]  }
0x1d: {  	[tilespmem:s7], [sflag:$0x3] =	stream.linear.gather [hbm4b:s1+s3], $0x6000, $0x38;
	[tilespmem:$0xC100] =	vst v63  }
0x1e: {  	s12 =	rddreg [dreg:$0x7]  }
0x1f: {  	[tilespmem:s8], [sflag:$0x4] =	stream.linear.gather [hbm4b:s12+s3], $0x6000, $0x38;
	[tilespmem:$0xC100] =	vst v63  }
0x20: {  	_ =	swait.ge [sflag:s9], $0x20  }
0x21: {  	[sflag:s9] =	ssyncset.done $0x0  }
0x22: {  	[sflag:s9] =	ssyncadd.s32 $0xFFFFFFE0  }
0x23: {  	_ =	swait.ge [sflag:s10], $0x6000  }
0x24: {  	[sflag:s10] =	ssyncset.done $0x0  }
0x25: {  	[sflag:s10] =	ssyncadd.s32 $0xFFFFA000  }
0x26: {  	v3 =	vld [tilespmem:$0x0];
	_ =	sdelay $0x4  }
0x27: {  	v4 =	vshrl.u32 v3, $0x3  }
0x28: {  	v4 =	vmul.u32 $0x30, v4  }
0x29: {  	v3 =	vand.u32 $0x7, v3  }
0x2a: {  	v3 =	vor.u32 v3, v4  }
0x2b: {  	v4 =	vperm.xlane v3, v0;
	_ =	sdelay $0x1  }
0x2c: {  	v4 =	vadd.s32 v1, v4;
	_ =	sdelay $0x3  }
0x2d: {  	v3 =	vperm.xlane v3, v2  }
0x2e: {  	[hbm4b:s2+s3] =	stream.indirect_vreg.scatter [tilespmem:s7], [sflag:$0x1], $0x80, v4, vm0, $0xb8;
	[tilespmem:$0xC100] =	vst v63  }
0x2f: {  	s12 =	rddreg [dreg:$0x9];
	v3 =	vadd.s32 v1, v3  }
0x30: {  	[hbm4b:s4+s3] =	stream.indirect_vreg.scatter [tilespmem:s12], [sflag:$0x1], $0x80, v4, vm0, $0xb8;
	[tilespmem:$0xC100] =	vst v63  }
0x31: {  	s11 =	rddreg [dreg:$0xa]  }
0x32: {  	[hbm4b:s5+s3] =	stream.indirect_vreg.scatter [tilespmem:s11], [sflag:$0x1], $0x80, v4, vm0, $0xb8;
	[tilespmem:$0xC100] =	vst v63  }
0x33: {  	s12 =	rddreg [dreg:$0xb]  }
0x34: {  	[hbm4b:s2+s3] =	stream.indirect_vreg.scatter [tilespmem:s12], [sflag:$0x1], $0x80, v3, vm0, $0xb8;
	[tilespmem:$0xC100] =	vst v63  }
0x35: {  	s11 =	simm.s32 $0x2100  }
0x36: {  	[hbm4b:s4+s3] =	stream.indirect_vreg.scatter [tilespmem:s11], [sflag:$0x1], $0x80, v3, vm0, $0xb8;
	[tilespmem:$0xC100] =	vst v63  }
0x37: {  	s12 =	simm.s32 $0x2900  }
0x38: {  	[hbm4b:s5+s3] =	stream.indirect_vreg.scatter [tilespmem:s12], [sflag:$0x1], $0x80, v3, vm0, $0xb8;
	[tilespmem:$0xC100] =	vst v63  }
0x39: {  	v3 =	vld [tilespmem:$0x10];
	_ =	sdelay $0x4  }
0x3a: {  	v61 =	vshrl.u32 v3, $0x3  }
0x3b: {  	v4 =	vmul.u32 $0x30, v61  }
0x3c: {  	v3 =	vand.u32 $0x7, v3  }
0x3d: {  	v3 =	vor.u32 v3, v4  }
0x3e: {  	v4 =	vperm.xlane v3, v0;
	_ =	sdelay $0x1  }
0x3f: {  	v4 =	vadd.s32 v1, v4;
	_ =	sdelay $0x3  }
0x40: {  	v3 =	vperm.xlane v3, v2  }
0x41: {  	[hbm4b:s2+s3] =	stream.indirect_vreg.scatter [tilespmem:s13], [sflag:$0x1], $0x80, v4, vm0, $0xb8;
	[tilespmem:$0xC100] =	vst v63  }
0x42: {  	v3 =	vadd.s32 v1, v3  }
0x43: {  	[hbm4b:s4+s3] =	stream.indirect_vreg.scatter [tilespmem:s14], [sflag:$0x1], $0x80, v4, vm0, $0xb8;
	[tilespmem:$0xC100] =	vst v63  }
0x44: {  	_ = 	snop  }
0x45: {  	[hbm4b:s5+s3] =	stream.indirect_vreg.scatter [tilespmem:s15], [sflag:$0x1], $0x80, v4, vm0, $0xb8;
	[tilespmem:$0xC100] =	vst v63  }
0x46: {  	_ = 	snop  }
0x47: {  	[hbm4b:s2+s3] =	stream.indirect_vreg.scatter [tilespmem:s16], [sflag:$0x1], $0x80, v3, vm0, $0xb8;
	[tilespmem:$0xC100] =	vst v63  }
0x48: {  	_ = 	snop  }
0x49: {  	[hbm4b:s4+s3] =	stream.indirect_vreg.scatter [tilespmem:s17], [sflag:$0x1], $0x80, v3, vm0, $0xb8;
	[tilespmem:$0xC100] =	vst v63  }
0x4a: {  	_ = 	snop  }
0x4b: {  	[hbm4b:s5+s3] =	stream.indirect_vreg.scatter [tilespmem:s18], [sflag:$0x1], $0x80, v3, vm0, $0xb8;
	[tilespmem:$0xC100] =	vst v63  }
0x4c: {  	_ =	swait.ge [sflag:s19], $0x20  }
0x4d: {  	[sflag:s19] =	ssyncset.done $0x0  }
0x4e: {  	[sflag:s19] =	ssyncadd.s32 $0xFFFFFFE0  }
0x4f: {  	_ =	swait.ge [sflag:s20], $0x6000  }
0x50: {  	[sflag:s20] =	ssyncset.done $0x0  }
0x51: {  	[sflag:s20] =	ssyncadd.s32 $0xFFFFA000  }
0x52: {  	v3 =	vld [tilespmem:$0x80];
	_ =	sdelay $0x4  }
0x53: {  	v62 =	vshrl.u32 v3, $0x3  }
0x54: {  	v4 =	vmul.u32 $0x30, v62  }
0x55: {  	v3 =	vand.u32 $0x7, v3  }
0x56: {  	v3 =	vor.u32 v3, v4  }
0x57: {  	v4 =	vperm.xlane v3, v0;
	_ =	sdelay $0x1  }
0x58: {  	v4 =	vadd.s32 v1, v4;
	_ =	sdelay $0x3  }
0x59: {  	v3 =	vperm.xlane v3, v2  }
0x5a: {  	[hbm4b:s2+s3] =	stream.indirect_vreg.scatter [tilespmem:s8], [sflag:$0x2], $0x80, v4, vm0, $0xb8;
	[tilespmem:$0xC100] =	vst v63  }
0x5b: {  	v3 =	vadd.s32 v1, v3  }
0x5c: {  	[hbm4b:s4+s3] =	stream.indirect_vreg.scatter [tilespmem:s21], [sflag:$0x2], $0x80, v4, vm0, $0xb8;
	[tilespmem:$0xC100] =	vst v63  }
0x5d: {  	_ = 	snop  }
0x5e: {  	[hbm4b:s5+s3] =	stream.indirect_vreg.scatter [tilespmem:s22], [sflag:$0x2], $0x80, v4, vm0, $0xb8;
	[tilespmem:$0xC100] =	vst v63  }
0x5f: {  	_ = 	snop  }
0x60: {  	[hbm4b:s2+s3] =	stream.indirect_vreg.scatter [tilespmem:s23], [sflag:$0x2], $0x80, v3, vm0, $0xb8;
	[tilespmem:$0xC100] =	vst v63  }
0x61: {  	_ = 	snop  }
0x62: {  	[hbm4b:s4+s3] =	stream.indirect_vreg.scatter [tilespmem:s24], [sflag:$0x2], $0x80, v3, vm0, $0xb8;
	[tilespmem:$0xC100] =	vst v63  }
0x63: {  	_ = 	snop  }
0x64: {  	[hbm4b:s5+s3] =	stream.indirect_vreg.scatter [tilespmem:s25], [sflag:$0x2], $0x80, v3, vm0, $0xb8;
	[tilespmem:$0xC100] =	vst v63  }
0x65: {  	v3 =	vld [tilespmem:$0x90];
	_ =	sdelay $0x4  }
0x66: {  	v63 =	vshrl.u32 v3, $0x3  }
0x67: {  	v4 =	vmul.u32 $0x30, v63  }
0x68: {  	v3 =	vand.u32 $0x7, v3  }
0x69: {  	v3 =	vor.u32 v3, v4  }
0x6a: {  	v4 =	vperm.xlane v3, v0;
	_ =	sdelay $0x1  }
0x6b: {  	v4 =	vadd.s32 v1, v4;
	_ =	sdelay $0x3  }
0x6c: {  	v3 =	vperm.xlane v3, v2  }
0x6d: {  	[hbm4b:s2+s3] =	stream.indirect_vreg.scatter [tilespmem:s26], [sflag:$0x2], $0x80, v4, vm0, $0xb8;
	[tilespmem:$0xC100] =	vst v63  }
0x6e: {  	v3 =	vadd.s32 v1, v3  }
0x6f: {  	[hbm4b:s4+s3] =	stream.indirect_vreg.scatter [tilespmem:s28], [sflag:$0x2], $0x80, v4, vm0, $0xb8;
	[tilespmem:$0xC100] =	vst v63  }
0x70: {  	_ = 	snop  }
0x71: {  	[hbm4b:s5+s3] =	stream.indirect_vreg.scatter [tilespmem:s29], [sflag:$0x2], $0x80, v4, vm0, $0xb8;
	[tilespmem:$0xC100] =	vst v63  }
0x72: {  	_ = 	snop  }
0x73: {  	[hbm4b:s2+s3] =	stream.indirect_vreg.scatter [tilespmem:s30], [sflag:$0x2], $0x80, v3, vm0, $0xb8;
	[tilespmem:$0xC100] =	vst v63  }
0x74: {  	_ = 	snop  }
0x75: {  	[hbm4b:s4+s3] =	stream.indirect_vreg.scatter [tilespmem:s31], [sflag:$0x2], $0x80, v3, vm0, $0xb8;
	[tilespmem:$0xC100] =	vst v63  }
0x76: {  	_ = 	snop  }
0x77: {  	[hbm4b:s5+s3] =	stream.indirect_vreg.scatter [tilespmem:s0], [sflag:$0x2], $0x80, v3, vm0, $0xb8;
	[tilespmem:$0xC100] =	vst v63  }
0x78: {  	p0 =	sne.s32 s6, $0x1;
	_ =	swait.ge [sflag:s9], $0x6000  }
.Ltmp0:
0x79: {  	[sflag:s9] =	ssyncset.done $0x0;
	(pc) =	sbr.rel @p0 .LBB2_1-.Ltmp0, $4  }
0x7a: {  	[sflag:s9] =	ssyncadd.s32 $0xFFFFA000  }
0x7b: {  	_ =	swait.ge [sflag:s19], $0x6000  }
0x7c: {  	[sflag:s19] =	ssyncset.done $0x0  }
0x7d: {  	s6 =	sadd.s32 $0xFFFFFFFF, s6;
	[sflag:s19] =	ssyncadd.s32 $0xFFFFA000  }
0x7e: {  	_ =	sfence.sel $0x180000  }
0x7f: {  	[bflag:$0x0] =	sbarrier.arrive $0xFFFF  }
0x80: {  	_ =	strace $0x90000047  }
0x81: {  	s0 =	stileid.u32;
	[bflag:$0x2] =	sbarrier.arrive $0xFFFF  }
0x82: {  	p0 =	sne.s32 s0, $0x0;
	s0 =	rddreg [dreg:$0x3]  }
0x83: {  	s0 =	sadd.s32 @!p0 $0x100000, s0  }
0x84: {  	[sflag:s0] =	ssyncadd.tile.s32 @!p0 $0x1;
	_ =	shalt  }
.Lfunc_end2:
_tile_overlayer_lowered:
.L_overlay_start_2:
0x85: {  	(tag) =	ssettag $0x2  }
0x86: {  	s0 =	rddreg [dreg:$0x0];
	s2 =	stileid.u32  }
0x87: {  	s1 =	rddreg [dreg:$0x1];
	p0 =	sne.s32 s2, $0x0  }
0x88: {  	s3 =	rddreg [dreg:$0x2];
	[bflag:$0x3] =	sbarrier.arrive $0xFFFF;
	s2 =	simm.s32 @!p0 $0x1C05  }
0x89: {  	[timem:s3], [sflag:s2] =	dma.local @!p0 [hbm:s0], s1  }
0x8a: {  	s0 =	simm.s32 @!p0 $0x5  }
0x8b: {  	_ =	swait.ge @!p0 [sflag:s0], s1  }
0x8c: {  	s1 =	ssub.s32 @!p0 $0x0, s1;
	[sflag:s0] =	ssyncset.done @!p0 $0x0  }
0x8d: {  	[sflag:s0] =	ssyncadd.s32 @!p0 s1  }
0x8e: {  	[bflag:$0x3] =	sbarrier.arrive $0xFFFF  }
0x8f: {  	_ =	shalt  }

// kernel: kernel.9.cloned.1.call-start
scs
__scs_entry_jumppad:
0x0: {  	(pc) =	sbr.rel $0x88, $3  }
0x1: {  	(tag) =	ssettag $0x0;
	lr =	simm.s32 $0x1  }
0x2: {  	[smem:$0x3F9C] =	sst lr;
	_ =	strace $0xD0000000  }
0x3: {  	_ = 	snop  }
0x4: {  	_ = 	snop  }
0x5: {  	_ = 	snop  }
0x6: {  	_ = 	snop  }
0x7: {  	_ = 	snop  }
__scs_overlays_trampoline_lowered:
0x8: {  	[smem:$0x3FAB] =	sst s0  }
0x9: {  	[smem:$0x3FAC] =	sst s1  }
0xa: {  	[smem:$0x3FAD] =	sst s2  }
0xb: {  	[smem:$0x3FAE] =	sst s3  }
0xc: {  	[smem:$0x3FAF] =	sst s4  }
0xd: {  	[smem:$0x3FB0] =	sst s5  }
0xe: {  	[smem:$0x3FB1] =	sst s6  }
0xf: {  	[smem:$0x3FB2] =	sst s7  }
0x10: {  	[smem:$0x3FB3] =	sst s8  }
0x11: {  	[smem:$0x3FB4] =	sst s9;
	s0 =	simm.s32 @!p0 $0x0  }
0x12: {  	s1 =	sld [smem:$0x3F9A];
	s0 =	simm.s32 @p0 $0x1  }
0x13: {  	[smem:$0x3FB5] =	sst s0;
	s0 =	simm.s32 @!p1 $0x0  }
0x14: {  	s2 =	sld [smem:$0x3F99];
	s0 =	simm.s32 @p1 $0x1  }
0x15: {  	[smem:$0x3FB6] =	sst s0;
	s0 =	simm.s32 @!p2 $0x0  }
0x16: {  	s3 =	sld [smem:$0x3FDB];
	s0 =	simm.s32 @p2 $0x1  }
0x17: {  	s4 =	simm.s32 $0x1BF5;
	[smem:$0x3FB8] =	sst s0  }
0x18: {  	s0 =	sld [smem:$0x3F9B];
	_ =	swait.ge [sflag:s4], $0x0  }
0x19: {  	s7 =	sld [smem:$0x3F9C]  }
0x1a: {  	s8 =	sadd.s32 $0xFFFFE003, lr  }
0x1b: {  	s9 =	sadd.s32 $0xFFFFFEF7, lr;
	s5 =	simm.s32 $0xFFFFFFFF;
	p2 =	slt.u32 s8, $0xFFFFF086  }
0x1c: {  	p1 =	slt.u32 s9, $0xF7A;
	s5 =	simm.s32 @!p2 $0x0  }
0x1d: {  	s5 =	simm.s32 @p1 $0x1;
	p0 =	seq.s32 s7, s2  }
0x1e: {  	s7 =	smul.u32 @!p0 $0xF7A, s2;
	p2 =	seq.s32 @!p0 s5, $0x0  }
0x1f: {  	s9 =	smul.u32 $0xF7A, s1;
	s8 =	simm.s32 @!p0 $0x1BF5;
	p2 =	por !p2, p0  }
0x20: {  	[sflag:s8] =	ssyncset.s32 @!p0 $0xFFFFF086;
	s6 =	sadd.s32 @!p0 s3, s7;
	s7 =	simm.s32 @!p0 $0x108  }
0x21: {  	s3 =	sadd.s32 s3, s9;
	s6 =	sadd.s32 @!p0 $0x88, s6;
	s7 =	simm.s32 @p2 $0x1082  }
0x22: {  	[simem:s7], [sflag:s8] =	dma.local @!p0 [hbm:s6], $0xF7A  }
0x23: {  	s9 =	sor.u32 $0xD0000000, s2;
	s6 =	simm.s32 $0x108;
	_ =	swait.ge @!p0 [sflag:s8], $0x0  }
0x24: {  	s3 =	sadd.s32 $0x88, s3;
	s6 =	simm.s32 @!p1 $0x1082;
	[sflag:s4] =	ssyncset.s32 $0xFFFFF086  }
0x25: {  	[simem:s6], [sflag:s4] =	dma.local [hbm:s3], $0xF7A  }
0x26: {  	[smem:$0x3F9C] =	sst s1;
	(tag) =	ssettag s2;
	_ =	strace s9  }
0x27: {  	s1 =	sld [smem:$0x3FAC]  }
0x28: {  	s2 =	sld [smem:$0x3FAD]  }
0x29: {  	s4 =	sld [smem:$0x3FAF]  }
0x2a: {  	p0 =	seq.s32 s5, $0x0;
	s5 =	sld [smem:$0x3FB0]  }
0x2b: {  	s6 =	sld [smem:$0x3FB1]  }
0x2c: {  	s7 =	sld [smem:$0x3FB2]  }
0x2d: {  	s3 =	simm.s32 $0x108;
	s8 =	sld [smem:$0x3FB3]  }
0x2e: {  	s3 =	simm.s32 @!p0 $0x1082;
	s9 =	sld [smem:$0x3FB4]  }
0x2f: {  	lr =	sadd.s32 s0, s3;
	s0 =	sld [smem:$0x3FAB]  }
0x30: {  	s3 =	sld [smem:$0x3FAE]  }
0x31: {  	[smem:$0x3FB7] =	sst s10  }
0x32: {  	s10 =	sld [smem:$0x3FB5];
	_ =	sdelay $0x3  }
0x33: {  	p0 =	seq.s32 s10, $0x1;
	s10 =	sld [smem:$0x3FB7];
	_ =	sdelay $0x3  }
0x34: {  	[smem:$0x3FB7] =	sst s10  }
0x35: {  	s10 =	sld [smem:$0x3FB6];
	_ =	sdelay $0x3  }
0x36: {  	p1 =	seq.s32 s10, $0x1;
	s10 =	sld [smem:$0x3FB7];
	_ =	sdelay $0x3  }
0x37: {  	[smem:$0x3FB7] =	sst s10  }
0x38: {  	s10 =	sld [smem:$0x3FB8]  }
0x39: {  	_ = 	snop;
	(pc) =	sbr.ind lr, $3  }
0x3a: {  	_ = 	snop  }
0x3b: {  	_ = 	snop  }
0x3c: {  	p2 =	seq.s32 s10, $0x1;
	s10 =	sld [smem:$0x3FB7]  }
0x3d: {  	_ =	shalt  }
0x3e: {  	_ =	shalt  }
0x3f: {  	_ =	shalt  }
0x40: {  	_ =	shalt  }
0x41: {  	_ =	shalt  }
0x42: {  	_ =	shalt  }
0x43: {  	_ =	shalt  }
0x44: {  	_ =	shalt  }
0x45: {  	_ =	shalt  }
0x46: {  	_ =	shalt  }
0x47: {  	_ =	shalt  }
0x48: {  	_ =	shalt  }
0x49: {  	_ =	shalt  }
0x4a: {  	_ =	shalt  }
0x4b: {  	_ =	shalt  }
0x4c: {  	_ =	shalt  }
0x4d: {  	_ =	shalt  }
0x4e: {  	_ =	shalt  }
0x4f: {  	_ =	shalt  }
0x50: {  	_ =	shalt  }
0x51: {  	_ =	shalt  }
0x52: {  	_ =	shalt  }
0x53: {  	_ =	shalt  }
0x54: {  	_ =	shalt  }
0x55: {  	_ =	shalt  }
0x56: {  	_ =	shalt  }
0x57: {  	_ =	shalt  }
0x58: {  	_ =	shalt  }
0x59: {  	_ =	shalt  }
0x5a: {  	_ =	shalt  }
0x5b: {  	_ =	shalt  }
0x5c: {  	_ =	shalt  }
0x5d: {  	_ =	shalt  }
0x5e: {  	_ =	shalt  }
0x5f: {  	_ =	shalt  }
0x60: {  	_ =	shalt  }
0x61: {  	_ =	shalt  }
0x62: {  	_ =	shalt  }
0x63: {  	_ =	shalt  }
0x64: {  	_ =	shalt  }
0x65: {  	_ =	shalt  }
0x66: {  	_ =	shalt  }
0x67: {  	_ =	shalt  }
0x68: {  	_ =	shalt  }
0x69: {  	_ =	shalt  }
0x6a: {  	_ =	shalt  }
0x6b: {  	_ =	shalt  }
0x6c: {  	_ =	shalt  }
0x6d: {  	_ =	shalt  }
0x6e: {  	_ =	shalt  }
0x6f: {  	_ =	shalt  }
0x70: {  	_ =	shalt  }
0x71: {  	_ =	shalt  }
0x72: {  	_ =	shalt  }
0x73: {  	_ =	shalt  }
0x74: {  	_ =	shalt  }
0x75: {  	_ =	shalt  }
0x76: {  	_ =	shalt  }
0x77: {  	_ =	shalt  }
0x78: {  	_ =	shalt  }
0x79: {  	_ =	shalt  }
0x7a: {  	_ =	shalt  }
0x7b: {  	_ =	shalt  }
0x7c: {  	_ =	shalt  }
0x7d: {  	_ =	shalt  }
0x7e: {  	_ =	shalt  }
0x7f: {  	_ =	shalt  }
0x80: {  	_ =	shalt  }
0x81: {  	_ =	shalt  }
0x82: {  	_ =	shalt  }
0x83: {  	_ =	shalt  }
0x84: {  	_ =	shalt  }
0x85: {  	_ =	shalt  }
0x86: {  	_ =	shalt  }
0x87: {  	_ =	shalt  }
.Lfunc_end0:
.L_simem_size_0:
called_computation.1_lowered:
.L_overlay_start_0:
0x88: {  	s2 =	sld [smem:$0x3FD9]  }
0x89: {  	s3 =	sld [smem:$0x3FFE];
	_ =	sdelay $0x1  }
0x8a: {  	s1 =	srdreg.scid  }
0x8b: {  	s0 =	sand.u32 $0x1, s1  }
0x8c: {  	s17 =	sshll.u32 s0, $0xA;
	s2 =	sadd.s32 s3, s2  }
0x8d: {  	s2 =	sadd.s32 s2, s17  }
0x8e: {  	[smem:$0x3FC3] =	sst s2  }
0x8f: {  	_ = 	snop  }
0x90: {  	s2 =	sld [smem:$0x3FD0];
	(tm) =	ssettm $0x1  }
0x91: {  	s18 =	sld [smem:$0x3FFB];
	_ =	sdelay $0x3  }
0x92: {  	_ =	strace s18  }
0x93: {  	s3 =	sld [smem:$0x3FFC];
	_ =	sdelay $0x3  }
0x94: {  	_ =	strace s3  }
0x95: {  	s3 =	sld [smem:$0x3FFD];
	_ =	sdelay $0x3  }
0x96: {  	_ =	strace s3  }
0x97: {  	_ =	strace $0x8FFFFFFF  }
0x98: {  	s19 =	sld [smem:$0x3FDB];
	_ =	sdelay $0x1  }
0x99: {  	s4 =	simm.s32 $_scs_section_size  }
0x9a: {  	s5 =	simm.s32 $_size__tile_overlayer_lowered;
	s6 =	simm.s32 $_tile_overlayer_lowered  }
0x9b: {  	s22 =	simm.s32 $0x1BFF;
	s21 =	sshll.u32 s6, $0x1;
	s3 =	sadd.s32 s4, s19  }
0x9c: {  	s7 =	simm.s32 $0x0;
	s20 =	sshll.u32 s5, $0x1;
	s5 =	sadd.s32 s21, s3  }
0x9d: {  	[timem:s7], [sflag:s22] =	dma.local [hbm:s5], s20  }
0x9e: {  	_ =	swait.ge [sflag:s22], s20  }
0x9f: {  	s4 =	ssub.s32 $0x0, s20;
	[sflag:s22] =	ssyncset.done $0x0  }
0xa0: {  	[sflag:s22] =	ssyncadd.s32 s4;
	_ =	sdelay $0x1  }
0xa1: {  	s23 =	simm.s32 $0x1B8B  }
0xa2: {  	_ =	swait.ge [sflag:s23], $0x1  }
0xa3: {  	[sflag:s23] =	ssyncset.done $0x0  }
0xa4: {  	s25 =	simm.s32 $0x1B8E;
	s24 =	sld [smem:$0x3FFE];
	[sflag:s23] =	ssyncadd.s32 $0xFFFFFFFF  }
0xa5: {  	s26 =	simm.s32 $execute0_lowered;
	[smem:$0x3FD2] =	sst s25  }
0xa6: {  	s5 =	sshll.u32 s26, $0x1;
	_ =	strace $0x80000049;
	[dreg:$0x1] =	wrdreg $0xFFFFFFFF  }
0xa7: {  	s28 =	simm.s32 $_size_execute0_lowered;
	s3 =	sadd.s32 s3, s5;
	[dreg:$0x0] =	wrdreg $0x0  }
0xa8: {  	s5 =	sshll.u32 s28, $0x1;
	[dreg:$0x2] =	wrdreg s3  }
0xa9: {  	[dreg:$0x3] =	wrdreg s5  }
0xaa: {  	[dreg:$0x4] =	wrdreg $0xC0  }
0xab: {  	_ =	task [dreg:s7], $0x5FFFF  }
0xac: {  	[dreg:$0x1] =	wrdreg $0xFFFFFFFF  }
0xad: {  	[dreg:$0x0] =	wrdreg $0x60  }
0xae: {  	[dreg:$0x2] =	wrdreg s24  }
0xaf: {  	[dreg:$0x3] =	wrdreg s2  }
0xb0: {  	[dreg:$0x4] =	wrdreg $0x9  }
0xb1: {  	_ =	task.clear_ibuf [dreg:s7], $0x5FFFF;
	_ =	strace $0x90000049  }
0xb2: {  	s29 =	simm.s32 $0x9;
	_ =	strace $0x8000004B  }
0xb3: {  	_ =	swait.ge [sflag:s29], $0x1  }
0xb4: {  	[sflag:s29] =	ssyncadd.s32 $0xFFFFFFFF  }
0xb5: {  	_ =	strace $0x9000004B  }
0xb6: {  	_ =	sfence  }
0xb7: {  	s30 =	sld [smem:$0x0];
	_ =	sdelay $0x2  }
0xb8: {  	s31 =	sshll.u32 s1, $0xD;
	s1 =	sshrl.u32 s1, $0x2  }
0xb9: {  	s3 =	sand.u32 $0x4000, s31;
	s1 =	sadd.s32 s1, s30  }
0xba: {  	s0 =	sor.u32 s3, s0;
	s1 =	sshll.u32 s1, $0x11  }
0xbb: {  	s0 =	sor.u32 s1, s0  }
0xbc: {  	s0 =	sadd.s32 $0x8F2B, s0  }
0xbd: {  	[sflag:s0] =	ssyncadd.remote.s32 $0x1  }
0xbe: {  	_ =	sfence.sel $0xFFFF  }
0xbf: {  	[dreg:$0x0] =	wrdreg $0xFFFFFFFF;
	(pc) =	sbr.abs _section_cstart, $3  }
0xc0: {  	[dreg:$0x1] =	wrdreg $0xFFFFFFFF  }
0xc1: {  	_ =	task.clear_ibuf [dreg:s7], $0x2FFFF;
	_ =	strace $0x9FFFFFFF  }
0xc2: {  	(tm) =	ssettm $0x7FFFFFFF  }
0xc3: {  	_ =	shalt  }
tec
execute0_lowered:
.L_overlay_start_1:
0x0: {  	(tag) =	ssettag $0x1  }
0x1: {  	s0 =	rddreg [dreg:$0x0]  }
0x2: {  	s5 =	rddreg [dreg:$0x1];
	s1 =	simm.s32 $0x0;
	s4 =	srdreg.scid  }
0x3: {  	s2 =	stileid.u32;
	s23 =	simm.s32 $0x80;
	s24 =	simm.s32 $0x900  }
0x4: {  	s25 =	simm.s32 $0x1100;
	s26 =	simm.s32 $0x1900;
	s11 =	simm.s32 $0x3100  }
0x5: {  	s12 =	simm.s32 $0x3900;
	s13 =	simm.s32 $0x4100;
	s14 =	simm.s32 $0x4900  }
0x6: {  	s15 =	simm.s32 $0x5100;
	s16 =	simm.s32 $0x5900;
	s17 =	simm.s32 $0x2  }
0x7: {  	s18 =	simm.s32 $0x6100;
	s28 =	simm.s32 $0xA900;
	s29 =	simm.s32 $0xB100  }
0x8: {  	s30 =	simm.s32 $0xB900;
	s31 =	simm.s32 $0x3;
	[smem:$0x7FF] =	sst s1  }
0x9: {  	s3 =	sadd.s32 $0x1200, s0;
	_ =	strace $0x8000004A;
	[dreg:$0x7] =	wrdreg s23  }
0xa: {  	s4 =	sand.u32 $0x1, s4;
	s7 =	sshll.u32 s2, $0x4;
	[dreg:$0x8] =	wrdreg s24  }
0xb: {  	s8 =	sadd.s32 $0x1000, s0;
	s6 =	ssub.s32 $0x2, s4;
	[dreg:$0x9] =	wrdreg s25  }
0xc: {  	s4 =	sshll.u32 s4, $0x3;
	[dreg:$0xa] =	wrdreg s26;
	s23 =	simm.s32 $0x8900  }
0xd: {  	s24 =	simm.s32 $0x9100;
	s25 =	simm.s32 $0x9900;
	s4 =	sor.u32 s4, s7  }
0xe: {  	s26 =	simm.s32 $0xA100;
	s9 =	sshrl.u32 s6, $0x1;
	s7 =	sadd.s32 s8, s4  }
0xf: {  	s10 =	sor.u32 $0x4, s4;
	s4 =	smul.u32 $0x300, s4;
	s6 =	ssub.s32 s6, s9  }
0x10: {  	[dreg:$0x3] =	wrdreg s7;
	s19 =	sadd.s32 s8, s10;
	s20 =	smul.u32 $0x300, s10  }
0x11: {  	s6 =	smax.u32 s6, $0x1;
	s7 =	simm.s32 $0x1;
	s8 =	simm.s32 $0x100  }
0x12: {  	[dreg:$0x4] =	wrdreg s19;
	s21 =	sadd.s32 s5, s4;
	s4 =	sadd.s32 $0x1300, s0  }
0x13: {  	v2 =	vlaneseq.u32;
	s19 =	simm.s32 $0x6900;
	[dreg:$0x5] =	wrdreg s21;
	s22 =	sadd.s32 s5, s20  }
0x14: {  	vm0 =	vmmov $0xffff;
	v1 =	vshrl.u32 v2, $0x3;
	s5 =	sadd.s32 $0x1400, s0;
	s20 =	simm.s32 $0x7100;
	s21 =	simm.s32 $0x7900  }
0x15: {  	v0 =	vand.u32 $0x7, v2;
	v2 =	vor.u32 $0x8, v2;
	v1 =	vmul.u32 $0x8, v1;
	s0 =	simm.s32 $0x4;
	[dreg:$0x6] =	wrdreg s22;
	s22 =	simm.s32 $0x8100  }
.LBB2_1:
0x16: {  	s2 =	rddreg [dreg:$0x3]  }
0x17: {  	s9 =	rddreg [dreg:$0x4]  }
0x18: {  	[tilespmem:s1], [sflag:$0x1] =	stream.linear.gather [hbm4b:s2+s1], $0x20, $0x38;
	[tilespmem:$0xC100] =	vst v63  }
0x19: {  	s10 =	rddreg [dreg:$0x7]  }
0x1a: {  	[tilespmem:s10], [sflag:$0x2] =	stream.linear.gather [hbm4b:s9+s1], $0x20, $0x38;
	[tilespmem:$0xC100] =	vst v63  }
0x1b: {  	_ =	swait.ge [sflag:s7], $0x20  }
0x1c: {  	[sflag:s7] =	ssyncset.done $0x0  }
0x1d: {  	[sflag:s7] =	ssyncadd.s32 $0xFFFFFFE0  }
0x1e: {  	v3 =	vld [tilespmem:$0x0];
	_ =	sdelay $0x4  }
0x1f: {  	v4 =	vshrl.u32 v3, $0x3  }
0x20: {  	v4 =	vmul.u32 $0x30, v4  }
0x21: {  	v3 =	vand.u32 $0x7, v3  }
0x22: {  	v3 =	vor.u32 v3, v4  }
0x23: {  	v4 =	vperm.xlane v3, v0;
	_ =	sdelay $0x1  }
0x24: {  	v4 =	vadd.s32 v1, v4;
	_ =	sdelay $0x3  }
0x25: {  	v3 =	vperm.xlane v3, v2  }
0x26: {  	[tilespmem:s8], [sflag:$0x3] =	stream.indirect_vreg.gather [hbm4b:s3+s1], $0x80, v4, vm0, $0xb8;
	[tilespmem:$0xC100] =	vst v63  }
0x27: {  	s10 =	rddreg [dreg:$0x8];
	v3 =	vadd.s32 v1, v3  }
0x28: {  	[tilespmem:s10], [sflag:$0x3] =	stream.indirect_vreg.gather [hbm4b:s4+s1], $0x80, v4, vm0, $0xb8;
	[tilespmem:$0xC100] =	vst v63  }
0x29: {  	s9 =	rddreg [dreg:$0x9]  }
0x2a: {  	[tilespmem:s9], [sflag:$0x3] =	stream.indirect_vreg.gather [hbm4b:s5+s1], $0x80, v4, vm0, $0xb8;
	[tilespmem:$0xC100] =	vst v63  }
0x2b: {  	s10 =	rddreg [dreg:$0xa]  }
0x2c: {  	[tilespmem:s10], [sflag:$0x3] =	stream.indirect_vreg.gather [hbm4b:s3+s1], $0x80, v3, vm0, $0xb8;
	[tilespmem:$0xC100] =	vst v63  }
0x2d: {  	s9 =	simm.s32 $0x2100  }
0x2e: {  	[tilespmem:s9], [sflag:$0x3] =	stream.indirect_vreg.gather [hbm4b:s4+s1], $0x80, v3, vm0, $0xb8;
	[tilespmem:$0xC100] =	vst v63  }
0x2f: {  	s10 =	simm.s32 $0x2900  }
0x30: {  	[tilespmem:s10], [sflag:$0x3] =	stream.indirect_vreg.gather [hbm4b:s5+s1], $0x80, v3, vm0, $0xb8;
	[tilespmem:$0xC100] =	vst v63  }
0x31: {  	v3 =	vld [tilespmem:$0x10];
	_ =	sdelay $0x4  }
0x32: {  	v61 =	vshrl.u32 v3, $0x3  }
0x33: {  	v4 =	vmul.u32 $0x30, v61  }
0x34: {  	v3 =	vand.u32 $0x7, v3  }
0x35: {  	v3 =	vor.u32 v3, v4  }
0x36: {  	v4 =	vperm.xlane v3, v0;
	_ =	sdelay $0x1  }
0x37: {  	v4 =	vadd.s32 v1, v4;
	_ =	sdelay $0x3  }
0x38: {  	v3 =	vperm.xlane v3, v2  }
0x39: {  	[tilespmem:s11], [sflag:$0x3] =	stream.indirect_vreg.gather [hbm4b:s3+s1], $0x80, v4, vm0, $0xb8;
	[tilespmem:$0xC100] =	vst v63  }
0x3a: {  	v3 =	vadd.s32 v1, v3  }
0x3b: {  	[tilespmem:s12], [sflag:$0x3] =	stream.indirect_vreg.gather [hbm4b:s4+s1], $0x80, v4, vm0, $0xb8;
	[tilespmem:$0xC100] =	vst v63  }
0x3c: {  	_ = 	snop  }
0x3d: {  	[tilespmem:s13], [sflag:$0x3] =	stream.indirect_vreg.gather [hbm4b:s5+s1], $0x80, v4, vm0, $0xb8;
	[tilespmem:$0xC100] =	vst v63  }
0x3e: {  	_ = 	snop  }
0x3f: {  	[tilespmem:s14], [sflag:$0x3] =	stream.indirect_vreg.gather [hbm4b:s3+s1], $0x80, v3, vm0, $0xb8;
	[tilespmem:$0xC100] =	vst v63  }
0x40: {  	_ = 	snop  }
0x41: {  	[tilespmem:s15], [sflag:$0x3] =	stream.indirect_vreg.gather [hbm4b:s4+s1], $0x80, v3, vm0, $0xb8;
	[tilespmem:$0xC100] =	vst v63  }
0x42: {  	_ = 	snop  }
0x43: {  	[tilespmem:s16], [sflag:$0x3] =	stream.indirect_vreg.gather [hbm4b:s5+s1], $0x80, v3, vm0, $0xb8;
	[tilespmem:$0xC100] =	vst v63  }
0x44: {  	_ =	swait.ge [sflag:s17], $0x20  }
0x45: {  	[sflag:s17] =	ssyncset.done $0x0  }
0x46: {  	[sflag:s17] =	ssyncadd.s32 $0xFFFFFFE0  }
0x47: {  	v3 =	vld [tilespmem:$0x80];
	_ =	sdelay $0x4  }
0x48: {  	v62 =	vshrl.u32 v3, $0x3  }
0x49: {  	v4 =	vmul.u32 $0x30, v62  }
0x4a: {  	v3 =	vand.u32 $0x7, v3  }
0x4b: {  	v3 =	vor.u32 v3, v4  }
0x4c: {  	v4 =	vperm.xlane v3, v0;
	_ =	sdelay $0x1  }
0x4d: {  	v4 =	vadd.s32 v1, v4;
	_ =	sdelay $0x3  }
0x4e: {  	v3 =	vperm.xlane v3, v2  }
0x4f: {  	[tilespmem:s18], [sflag:$0x4] =	stream.indirect_vreg.gather [hbm4b:s3+s1], $0x80, v4, vm0, $0xb8;
	[tilespmem:$0xC100] =	vst v63  }
0x50: {  	v3 =	vadd.s32 v1, v3  }
0x51: {  	[tilespmem:s19], [sflag:$0x4] =	stream.indirect_vreg.gather [hbm4b:s4+s1], $0x80, v4, vm0, $0xb8;
	[tilespmem:$0xC100] =	vst v63  }
0x52: {  	_ = 	snop  }
0x53: {  	[tilespmem:s20], [sflag:$0x4] =	stream.indirect_vreg.gather [hbm4b:s5+s1], $0x80, v4, vm0, $0xb8;
	[tilespmem:$0xC100] =	vst v63  }
0x54: {  	_ = 	snop  }
0x55: {  	[tilespmem:s21], [sflag:$0x4] =	stream.indirect_vreg.gather [hbm4b:s3+s1], $0x80, v3, vm0, $0xb8;
	[tilespmem:$0xC100] =	vst v63  }
0x56: {  	_ = 	snop  }
0x57: {  	[tilespmem:s22], [sflag:$0x4] =	stream.indirect_vreg.gather [hbm4b:s4+s1], $0x80, v3, vm0, $0xb8;
	[tilespmem:$0xC100] =	vst v63  }
0x58: {  	_ = 	snop  }
0x59: {  	[tilespmem:s23], [sflag:$0x4] =	stream.indirect_vreg.gather [hbm4b:s5+s1], $0x80, v3, vm0, $0xb8;
	[tilespmem:$0xC100] =	vst v63  }
0x5a: {  	v3 =	vld [tilespmem:$0x90];
	_ =	sdelay $0x4  }
0x5b: {  	v63 =	vshrl.u32 v3, $0x3  }
0x5c: {  	v4 =	vmul.u32 $0x30, v63  }
0x5d: {  	v3 =	vand.u32 $0x7, v3  }
0x5e: {  	v3 =	vor.u32 v3, v4  }
0x5f: {  	v4 =	vperm.xlane v3, v0;
	_ =	sdelay $0x1  }
0x60: {  	v4 =	vadd.s32 v1, v4;
	_ =	sdelay $0x3  }
0x61: {  	v3 =	vperm.xlane v3, v2  }
0x62: {  	[tilespmem:s24], [sflag:$0x4] =	stream.indirect_vreg.gather [hbm4b:s3+s1], $0x80, v4, vm0, $0xb8;
	[tilespmem:$0xC100] =	vst v63  }
0x63: {  	v3 =	vadd.s32 v1, v3  }
0x64: {  	[tilespmem:s25], [sflag:$0x4] =	stream.indirect_vreg.gather [hbm4b:s4+s1], $0x80, v4, vm0, $0xb8;
	[tilespmem:$0xC100] =	vst v63  }
0x65: {  	_ = 	snop  }
0x66: {  	[tilespmem:s26], [sflag:$0x4] =	stream.indirect_vreg.gather [hbm4b:s5+s1], $0x80, v4, vm0, $0xb8;
	[tilespmem:$0xC100] =	vst v63  }
0x67: {  	_ = 	snop  }
0x68: {  	[tilespmem:s28], [sflag:$0x4] =	stream.indirect_vreg.gather [hbm4b:s3+s1], $0x80, v3, vm0, $0xb8;
	[tilespmem:$0xC100] =	vst v63  }
0x69: {  	_ = 	snop  }
0x6a: {  	[tilespmem:s29], [sflag:$0x4] =	stream.indirect_vreg.gather [hbm4b:s4+s1], $0x80, v3, vm0, $0xb8;
	[tilespmem:$0xC100] =	vst v63  }
0x6b: {  	_ = 	snop  }
0x6c: {  	[tilespmem:s30], [sflag:$0x4] =	stream.indirect_vreg.gather [hbm4b:s5+s1], $0x80, v3, vm0, $0xb8;
	[tilespmem:$0xC100] =	vst v63  }
0x6d: {  	_ =	swait.ge [sflag:s31], $0x6000  }
0x6e: {  	[sflag:s31] =	ssyncset.done $0x0  }
0x6f: {  	s9 =	rddreg [dreg:$0x5];
	[sflag:s31] =	ssyncadd.s32 $0xFFFFA000  }
0x70: {  	[hbm4b:s9+s1] =	stream.linear.scatter [tilespmem:s8], [sflag:$0x1], $0x6000, $0x38;
	[tilespmem:$0xC100] =	vst v63  }
0x71: {  	_ =	swait.ge [sflag:s0], $0x6000  }
0x72: {  	[sflag:s0] =	ssyncset.done $0x0  }
0x73: {  	s10 =	rddreg [dreg:$0x6];
	[sflag:s0] =	ssyncadd.s32 $0xFFFFA000  }
0x74: {  	[hbm4b:s10+s1] =	stream.linear.scatter [tilespmem:s18], [sflag:$0x2], $0x6000, $0x38;
	[tilespmem:$0xC100] =	vst v63  }
0x75: {  	p0 =	sne.s32 s6, $0x1;
	_ =	swait.ge [sflag:s7], $0x6000  }
.Ltmp0:
0x76: {  	[sflag:s7] =	ssyncset.done $0x0;
	(pc) =	sbr.rel @p0 .LBB2_1-.Ltmp0, $4  }
0x77: {  	[sflag:s7] =	ssyncadd.s32 $0xFFFFA000  }
0x78: {  	_ =	swait.ge [sflag:s17], $0x6000  }
0x79: {  	[sflag:s17] =	ssyncset.done $0x0  }
0x7a: {  	s6 =	sadd.s32 $0xFFFFFFFF, s6;
	[sflag:s17] =	ssyncadd.s32 $0xFFFFA000  }
0x7b: {  	_ =	sfence.sel $0x180000  }
0x7c: {  	[bflag:$0x0] =	sbarrier.arrive $0xFFFF  }
0x7d: {  	_ =	strace $0x9000004A  }
0x7e: {  	s0 =	stileid.u32;
	[bflag:$0x2] =	sbarrier.arrive $0xFFFF  }
0x7f: {  	p0 =	sne.s32 s0, $0x0;
	s0 =	rddreg [dreg:$0x2]  }
0x80: {  	s0 =	sadd.s32 @!p0 $0x100000, s0  }
0x81: {  	[sflag:s0] =	ssyncadd.tile.s32 @!p0 $0x1;
	_ =	shalt  }
.Lfunc_end2:
_tile_overlayer_lowered:
.L_overlay_start_2:
0x82: {  	(tag) =	ssettag $0x2  }
0x83: {  	s0 =	rddreg [dreg:$0x0];
	s2 =	stileid.u32  }
0x84: {  	s1 =	rddreg [dreg:$0x1];
	p0 =	sne.s32 s2, $0x0  }
0x85: {  	s3 =	rddreg [dreg:$0x2];
	[bflag:$0x3] =	sbarrier.arrive $0xFFFF;
	s2 =	simm.s32 @!p0 $0x1C05  }
0x86: {  	[timem:s3], [sflag:s2] =	dma.local @!p0 [hbm:s0], s1  }
0x87: {  	s0 =	simm.s32 @!p0 $0x5  }
0x88: {  	_ =	swait.ge @!p0 [sflag:s0], s1  }
0x89: {  	s1 =	ssub.s32 @!p0 $0x0, s1;
	[sflag:s0] =	ssyncset.done @!p0 $0x0  }
0x8a: {  	[sflag:s0] =	ssyncadd.s32 @!p0 s1  }
0x8b: {  	[bflag:$0x3] =	sbarrier.arrive $0xFFFF  }
0x8c: {  	_ =	shalt  }

</sc_bundles>
